<compile_context>
chip_gen: v7x
topology: tpu7x:2x2x1
jax: 0.10.2.dev20260603
libtpu: 0.0.44.dev20260713+nightly
codegen_flags: <defaults>
</compile_context>

<pallas_src>
import jax
import jax.numpy as jnp
from jax import lax
from jax.experimental import pallas as pl
from jax.experimental.pallas import tpu as pltpu
from jax.experimental.pallas import tpu_sc as plsc

B, L = 4096, 200
VOCAB, D = 256, 128

_NUM_WORKERS = 32
_ROWS_PER_W = B // _NUM_WORKERS
_GROUPS = _ROWS_PER_W // 16


def _hist_body(ids_hbm, counts_hbm, ids_v, hist_v, in_sems, out_sems):
    nc = 2
    wid = lax.axis_index("s") * nc + lax.axis_index("c")
    base = wid * _ROWS_PER_W

    in_copy = pltpu.async_copy(
        ids_hbm.at[:, pl.ds(base, _ROWS_PER_W)], ids_v, in_sems[0]
    )

    zeros16 = jnp.zeros((16,), jnp.float32)
    iota16 = lax.iota(jnp.int32, 16)
    ones16 = jnp.ones((16,), jnp.float32)

    @plsc.parallel_loop(0, _ROWS_PER_W * VOCAB, step=16, unroll=8)
    def _zero(j):
        hist_v[pl.ds(j, 16)] = zeros16

    in_copy.wait()
    out_copies = []
    for g in range(_GROUPS):
        hist_off = (g * 16 + iota16) * VOCAB

        @plsc.parallel_loop(0, L, unroll=8)
        def _tok(l):
            ids16 = ids_v[l, pl.ds(g * 16, 16)]
            plsc.addupdate_scatter(hist_v, [hist_off + ids16], ones16)

        out_copies.append(
            pltpu.async_copy(
                hist_v.at[pl.ds(g * 16 * VOCAB, 16 * VOCAB)],
                counts_hbm.at[pl.ds((base + g * 16) * VOCAB, 16 * VOCAB)],
                out_sems[g],
            )
        )
    for c in out_copies:
        c.wait()


_hist_call = pl.kernel(
    _hist_body,
    out_type=jax.ShapeDtypeStruct((B * VOCAB,), jnp.float32),
    mesh=plsc.VectorSubcoreMesh(core_axis_name="c", subcore_axis_name="s"),
    scratch_types=[
        pltpu.VMEM((L, _ROWS_PER_W), jnp.int32),
        pltpu.VMEM((_ROWS_PER_W * VOCAB,), jnp.float32),
        [pltpu.SemaphoreType.DMA],
        [pltpu.SemaphoreType.DMA] * _GROUPS,
    ],
    compiler_params=pltpu.CompilerParams(needs_layout_passes=False),
)


def _mm_body(counts_ref, emb_ref, out_ref):
    counts = counts_ref[...].reshape(_BB, VOCAB)
    acc = jax.lax.dot_general(
        counts, emb_ref[...],
        (((1,), (0,)), ((), ())),
        preferred_element_type=jnp.float32,
    )
    out_ref[...] = acc * (1.0 / L)


_BB = 2048

_mm_call = pl.pallas_call(
    _mm_body,
    grid=(B // _BB,),
    in_specs=[
        pl.BlockSpec((_BB * VOCAB,), lambda i: (i,)),
        pl.BlockSpec((VOCAB, D), lambda i: (0, 0)),
    ],
    out_specs=pl.BlockSpec((_BB, D), lambda i: (i, 0)),
    out_shape=jax.ShapeDtypeStruct((B, D), jnp.float32),
)


@jax.jit
def kernel(token_ids, embedding):
    ids_t = token_ids.astype(jnp.int32).T
    counts = _hist_call(ids_t)
    counts = pltpu.with_memory_space_constraint(counts, pltpu.MemorySpace.HBM)
    return _mm_call(counts, embedding)

# --- scband reference (transcript-rebuilt; emitter-appended) ---
"""Pipeline reference for scband-text-encoder-stub-64218351010410 (READ-ONLY COPY).

The authoritative reference and input builder live on the scoring server;
editing this copy changes nothing except your own understanding.
"""

import jax, jax.numpy as jnp
import numpy as np

B, L = 4096, 200
VOCAB, D = 256, 128

def setup_inputs(seed: int = 0) -> dict:
    key = jax.random.key(seed)
    k1, k2 = jax.random.split(key)
    token_ids = jax.random.randint(k1, (B, L), 0, VOCAB, dtype=jnp.int64) if jax.config.jax_enable_x64 else jax.random.randint(k1, (B, L), 0, VOCAB, dtype=jnp.int32)
    embedding = jax.random.normal(k2, (VOCAB, D), dtype=jnp.float32)
    return {"token_ids": token_ids, "embedding": embedding}

def reference(token_ids, embedding):
    # nn.Embedding lookup: (B, L) -> (B, L, D)
    emb = jnp.take(embedding, token_ids, axis=0)
    # permute(0,2,1) then AdaptiveAvgPool1d(1).squeeze(-1) == mean over length axis
    out = jnp.mean(emb, axis=1)
    return out

if __name__ == "__main__":
    import jax
    _d = setup_inputs()
    print(jax.jit(kernel)(*tuple(_d.values())))

</pallas_src>

<mosaic_0001>
#map = affine_map<(d0, d1) -> (0, 0)>
#map1 = affine_map<(d0, d1) -> (0)>
module attributes {stable_mosaic.version = 14 : i64} {
  func.func @_hist_body(%arg0: i32, %arg1: i32, %arg2: memref<200x4096xi32, #tpu.memory_space<hbm>>, %arg3: memref<1048576xf32, #tpu.memory_space<hbm>>, %arg4: memref<200x128xi32, #tpu.memory_space<vmem>>, %arg5: memref<32768xf32, #tpu.memory_space<vmem>>, %arg6: memref<!tpu.dma_semaphore, #tpu.memory_space<semaphore_mem>>, %arg7: memref<!tpu.dma_semaphore, #tpu.memory_space<semaphore_mem>>, %arg8: memref<!tpu.dma_semaphore, #tpu.memory_space<semaphore_mem>>, %arg9: memref<!tpu.dma_semaphore, #tpu.memory_space<semaphore_mem>>, %arg10: memref<!tpu.dma_semaphore, #tpu.memory_space<semaphore_mem>>, %arg11: memref<!tpu.dma_semaphore, #tpu.memory_space<semaphore_mem>>, %arg12: memref<!tpu.dma_semaphore, #tpu.memory_space<semaphore_mem>>, %arg13: memref<!tpu.dma_semaphore, #tpu.memory_space<semaphore_mem>>, %arg14: memref<!tpu.dma_semaphore, #tpu.memory_space<semaphore_mem>>) attributes {dimension_semantics = [#tpu.dimension_semantics<core_parallel>, #tpu.dimension_semantics<subcore_parallel>], iteration_bounds = array<i64: 2, 16>, scalar_prefetch = 0 : i64, scratch_operands = 11 : i64, tpu.core_type = #tpu.core_type<sc_vector_subcore>, window_params = [{transform_indices = #map}, {transform_indices = #map1}]} {
    %mul3A = arith.constant 2 : i32
    %mul3A_0 = arith.muli %arg1, %mul3A : i32
    %add3A = arith.addi %mul3A_0, %arg0 : i32
    %mul3A_1 = arith.constant 128 : i32
    %mul3A_2 = arith.muli %add3A, %mul3A_1 : i32
    %dma_start3A = arith.constant 0 : i32
    %dma_start3A_3 = tpu.memref_slice %arg2[%dma_start3A, %mul3A_2] : memref<200x4096xi32, #tpu.memory_space<hbm>> -> memref<200x128xi32, #tpu.memory_space<hbm>>
    %dma_start3A_4 = arith.constant 0 : i32
    %dma_start3A_5 = tpu.memref_slice %arg2[%dma_start3A_4, %mul3A_2] : memref<200x4096xi32, #tpu.memory_space<hbm>> -> memref<200x128xi32, #tpu.memory_space<hbm>>
    tpu.enqueue_dma source(%dma_start3A_5 : memref<200x128xi32, #tpu.memory_space<hbm>>) target(%arg4 : memref<200x128xi32, #tpu.memory_space<vmem>>) target_semaphore(%arg6 : memref<!tpu.dma_semaphore, #tpu.memory_space<semaphore_mem>>)
    %broadcast_in_dim3A = arith.constant 0.000000e+00 : f32
    %broadcast_in_dim3A_6 = vector.broadcast %broadcast_in_dim3A : f32 to vector<16xf32>
    %iota3A = tpu.iota {dimensions = array<i32: 0>} : vector<16xi32>
    %broadcast_in_dim3A_7 = arith.constant 1.000000e+00 : f32
    %broadcast_in_dim3A_8 = vector.broadcast %broadcast_in_dim3A_7 : f32 to vector<16xf32>
    %parallel_loop3A = arith.constant 0 : i32
    %parallel_loop3A_9 = arith.constant 32768 : i32
    %parallel_loop3A_10 = arith.constant 16 : i32
    scf.for %parallel_loop3A_214 = %parallel_loop3A to %parallel_loop3A_9 step %parallel_loop3A_10  : i32 {
      %parallel_loop3A_215 = arith.index_cast %parallel_loop3A_214 : i32 to index
      %parallel_loop3A_216 = tpu.vector_load %arg5[%parallel_loop3A_215] {strides = array<i32>} : memref<32768xf32, #tpu.memory_space<vmem>>, vector<16xf32>,
      tpu.vector_store %arg5[%parallel_loop3A_215], %broadcast_in_dim3A_6 {strides = array<i32>} : memref<32768xf32, #tpu.memory_space<vmem>>, vector<16xf32>,
    } {sc.loop_unroll_factor = 8 : i64, sc.parallel_access}
    %dma_wait3A = arith.constant 0 : i32
    %dma_wait3A_11 = tpu.memref_slice %arg2[%dma_wait3A, %mul3A_2] : memref<200x4096xi32, #tpu.memory_space<hbm>> -> memref<200x128xi32, #tpu.memory_space<hbm>>
    %dma_wait3A_12 = arith.constant 0 : i32
    %dma_wait3A_13 = tpu.memref_slice %arg2[%dma_wait3A_12, %mul3A_2] : memref<200x4096xi32, #tpu.memory_space<hbm>> -> memref<200x128xi32, #tpu.memory_space<hbm>>
    tpu.wait_dma2 semaphore(%arg6 : memref<!tpu.dma_semaphore, #tpu.memory_space<semaphore_mem>>) src(%dma_wait3A_13 : memref<200x128xi32, #tpu.memory_space<hbm>>) dst(%arg4 : memref<200x128xi32, #tpu.memory_space<vmem>>)
    %add3A_14 = arith.constant 0 : i32
    %add3A_15 = vector.broadcast %add3A_14 : i32 to vector<16xi32>
    %add3A_16 = arith.addi %add3A_15, %iota3A : vector<16xi32>
    %mul3A_17 = arith.constant 256 : i32
    %mul3A_18 = vector.broadcast %mul3A_17 : i32 to vector<16xi32>
    %mul3A_19 = arith.muli %add3A_16, %mul3A_18 : vector<16xi32>
    %parallel_loop3A_20 = arith.constant 0 : i32
    %parallel_loop3A_21 = arith.constant 200 : i32
    %parallel_loop3A_22 = arith.constant 1 : i32
    scf.for %parallel_loop3A_214 = %parallel_loop3A_20 to %parallel_loop3A_21 step %parallel_loop3A_22  : i32 {
      %parallel_loop3A_215 = arith.index_cast %parallel_loop3A_214 : i32 to index
      %parallel_loop3A_216 = arith.constant 0 : index
      %parallel_loop3A_217 = tpu.vector_load %arg4[%parallel_loop3A_215, %parallel_loop3A_216] {strides = array<i32>} : memref<200x128xi32, #tpu.memory_space<vmem>>, vector<16xi32>,
      %parallel_loop3A_218 = arith.addi %mul3A_19, %parallel_loop3A_217 : vector<16xi32>
      tpu.vector_store_idx %arg5[%parallel_loop3A_218], %broadcast_in_dim3A_8 {add = true} : memref<32768xf32, #tpu.memory_space<vmem>>[vector<16xi32>], vector<16xf32>,
    } {sc.loop_unroll_factor = 8 : i64, sc.parallel_access}
    %add3A_23 = arith.constant 0 : i32
    %add3A_24 = arith.addi %mul3A_2, %add3A_23 : i32
    %mul3A_25 = arith.constant 256 : i32
    %mul3A_26 = arith.muli %add3A_24, %mul3A_25 : i32
    %dma_start3A_27 = arith.constant 0 : i32
    %dma_start3A_28 = tpu.memref_slice %arg5[%dma_start3A_27] : memref<32768xf32, #tpu.memory_space<vmem>> -> memref<4096xf32, #tpu.memory_space<vmem>>
    %dma_start3A_29 = tpu.memref_slice %arg3[%mul3A_26] : memref<1048576xf32, #tpu.memory_space<hbm>> -> memref<4096xf32, #tpu.memory_space<hbm>>
    %dma_start3A_30 = tpu.memref_slice %arg3[%mul3A_26] : memref<1048576xf32, #tpu.memory_space<hbm>> -> memref<4096xf32, #tpu.memory_space<hbm>>
    %dma_start3A_31 = arith.constant 0 : i32
    %dma_start3A_32 = tpu.memref_slice %arg5[%dma_start3A_31] : memref<32768xf32, #tpu.memory_space<vmem>> -> memref<4096xf32, #tpu.memory_space<vmem>>
    tpu.enqueue_dma source(%dma_start3A_32 : memref<4096xf32, #tpu.memory_space<vmem>>) target(%dma_start3A_30 : memref<4096xf32, #tpu.memory_space<hbm>>) target_semaphore(%arg7 : memref<!tpu.dma_semaphore, #tpu.memory_space<semaphore_mem>>)
    %add3A_33 = arith.constant 16 : i32
    %add3A_34 = vector.broadcast %add3A_33 : i32 to vector<16xi32>
    %add3A_35 = arith.addi %add3A_34, %iota3A : vector<16xi32>
    %mul3A_36 = arith.constant 256 : i32
    %mul3A_37 = vector.broadcast %mul3A_36 : i32 to vector<16xi32>
    %mul3A_38 = arith.muli %add3A_35, %mul3A_37 : vector<16xi32>
    %parallel_loop3A_39 = arith.constant 0 : i32
    %parallel_loop3A_40 = arith.constant 200 : i32
    %parallel_loop3A_41 = arith.constant 1 : i32
    scf.for %parallel_loop3A_214 = %parallel_loop3A_39 to %parallel_loop3A_40 step %parallel_loop3A_41  : i32 {
      %parallel_loop3A_215 = arith.index_cast %parallel_loop3A_214 : i32 to index
      %parallel_loop3A_216 = arith.constant 16 : index
      %parallel_loop3A_217 = tpu.vector_load %arg4[%parallel_loop3A_215, %parallel_loop3A_216] {strides = array<i32>} : memref<200x128xi32, #tpu.memory_space<vmem>>, vector<16xi32>,
      %parallel_loop3A_218 = arith.addi %mul3A_38, %parallel_loop3A_217 : vector<16xi32>
      tpu.vector_store_idx %arg5[%parallel_loop3A_218], %broadcast_in_dim3A_8 {add = true} : memref<32768xf32, #tpu.memory_space<vmem>>[vector<16xi32>], vector<16xf32>,
    } {sc.loop_unroll_factor = 8 : i64, sc.parallel_access}
    %add3A_42 = arith.constant 16 : i32
    %add3A_43 = arith.addi %mul3A_2, %add3A_42 : i32
    %mul3A_44 = arith.constant 256 : i32
    %mul3A_45 = arith.muli %add3A_43, %mul3A_44 : i32
    %dma_start3A_46 = arith.constant 4096 : i32
    %dma_start3A_47 = tpu.memref_slice %arg5[%dma_start3A_46] : memref<32768xf32, #tpu.memory_space<vmem>> -> memref<4096xf32, #tpu.memory_space<vmem>>
    %dma_start3A_48 = tpu.memref_slice %arg3[%mul3A_45] : memref<1048576xf32, #tpu.memory_space<hbm>> -> memref<4096xf32, #tpu.memory_space<hbm>>
    %dma_start3A_49 = tpu.memref_slice %arg3[%mul3A_45] : memref<1048576xf32, #tpu.memory_space<hbm>> -> memref<4096xf32, #tpu.memory_space<hbm>>
    %dma_start3A_50 = arith.constant 4096 : i32
    %dma_start3A_51 = tpu.memref_slice %arg5[%dma_start3A_50] : memref<32768xf32, #tpu.memory_space<vmem>> -> memref<4096xf32, #tpu.memory_space<vmem>>
    tpu.enqueue_dma source(%dma_start3A_51 : memref<4096xf32, #tpu.memory_space<vmem>>) target(%dma_start3A_49 : memref<4096xf32, #tpu.memory_space<hbm>>) target_semaphore(%arg8 : memref<!tpu.dma_semaphore, #tpu.memory_space<semaphore_mem>>)
    %add3A_52 = arith.constant 32 : i32
    %add3A_53 = vector.broadcast %add3A_52 : i32 to vector<16xi32>
    %add3A_54 = arith.addi %add3A_53, %iota3A : vector<16xi32>
    %mul3A_55 = arith.constant 256 : i32
    %mul3A_56 = vector.broadcast %mul3A_55 : i32 to vector<16xi32>
    %mul3A_57 = arith.muli %add3A_54, %mul3A_56 : vector<16xi32>
    %parallel_loop3A_58 = arith.constant 0 : i32
    %parallel_loop3A_59 = arith.constant 200 : i32
    %parallel_loop3A_60 = arith.constant 1 : i32
    scf.for %parallel_loop3A_214 = %parallel_loop3A_58 to %parallel_loop3A_59 step %parallel_loop3A_60  : i32 {
      %parallel_loop3A_215 = arith.index_cast %parallel_loop3A_214 : i32 to index
      %parallel_loop3A_216 = arith.constant 32 : index
      %parallel_loop3A_217 = tpu.vector_load %arg4[%parallel_loop3A_215, %parallel_loop3A_216] {strides = array<i32>} : memref<200x128xi32, #tpu.memory_space<vmem>>, vector<16xi32>,
      %parallel_loop3A_218 = arith.addi %mul3A_57, %parallel_loop3A_217 : vector<16xi32>
      tpu.vector_store_idx %arg5[%parallel_loop3A_218], %broadcast_in_dim3A_8 {add = true} : memref<32768xf32, #tpu.memory_space<vmem>>[vector<16xi32>], vector<16xf32>,
    } {sc.loop_unroll_factor = 8 : i64, sc.parallel_access}
    %add3A_61 = arith.constant 32 : i32
    %add3A_62 = arith.addi %mul3A_2, %add3A_61 : i32
    %mul3A_63 = arith.constant 256 : i32
    %mul3A_64 = arith.muli %add3A_62, %mul3A_63 : i32
    %dma_start3A_65 = arith.constant 8192 : i32
    %dma_start3A_66 = tpu.memref_slice %arg5[%dma_start3A_65] : memref<32768xf32, #tpu.memory_space<vmem>> -> memref<4096xf32, #tpu.memory_space<vmem>>
    %dma_start3A_67 = tpu.memref_slice %arg3[%mul3A_64] : memref<1048576xf32, #tpu.memory_space<hbm>> -> memref<4096xf32, #tpu.memory_space<hbm>>
    %dma_start3A_68 = tpu.memref_slice %arg3[%mul3A_64] : memref<1048576xf32, #tpu.memory_space<hbm>> -> memref<4096xf32, #tpu.memory_space<hbm>>
    %dma_start3A_69 = arith.constant 8192 : i32
    %dma_start3A_70 = tpu.memref_slice %arg5[%dma_start3A_69] : memref<32768xf32, #tpu.memory_space<vmem>> -> memref<4096xf32, #tpu.memory_space<vmem>>
    tpu.enqueue_dma source(%dma_start3A_70 : memref<4096xf32, #tpu.memory_space<vmem>>) target(%dma_start3A_68 : memref<4096xf32, #tpu.memory_space<hbm>>) target_semaphore(%arg9 : memref<!tpu.dma_semaphore, #tpu.memory_space<semaphore_mem>>)
    %add3A_71 = arith.constant 48 : i32
    %add3A_72 = vector.broadcast %add3A_71 : i32 to vector<16xi32>
    %add3A_73 = arith.addi %add3A_72, %iota3A : vector<16xi32>
    %mul3A_74 = arith.constant 256 : i32
    %mul3A_75 = vector.broadcast %mul3A_74 : i32 to vector<16xi32>
    %mul3A_76 = arith.muli %add3A_73, %mul3A_75 : vector<16xi32>
    %parallel_loop3A_77 = arith.constant 0 : i32
    %parallel_loop3A_78 = arith.constant 200 : i32
    %parallel_loop3A_79 = arith.constant 1 : i32
    scf.for %parallel_loop3A_214 = %parallel_loop3A_77 to %parallel_loop3A_78 step %parallel_loop3A_79  : i32 {
      %parallel_loop3A_215 = arith.index_cast %parallel_loop3A_214 : i32 to index
      %parallel_loop3A_216 = arith.constant 48 : index
      %parallel_loop3A_217 = tpu.vector_load %arg4[%parallel_loop3A_215, %parallel_loop3A_216] {strides = array<i32>} : memref<200x128xi32, #tpu.memory_space<vmem>>, vector<16xi32>,
      %parallel_loop3A_218 = arith.addi %mul3A_76, %parallel_loop3A_217 : vector<16xi32>
      tpu.vector_store_idx %arg5[%parallel_loop3A_218], %broadcast_in_dim3A_8 {add = true} : memref<32768xf32, #tpu.memory_space<vmem>>[vector<16xi32>], vector<16xf32>,
    } {sc.loop_unroll_factor = 8 : i64, sc.parallel_access}
    %add3A_80 = arith.constant 48 : i32
    %add3A_81 = arith.addi %mul3A_2, %add3A_80 : i32
    %mul3A_82 = arith.constant 256 : i32
    %mul3A_83 = arith.muli %add3A_81, %mul3A_82 : i32
    %dma_start3A_84 = arith.constant 12288 : i32
    %dma_start3A_85 = tpu.memref_slice %arg5[%dma_start3A_84] : memref<32768xf32, #tpu.memory_space<vmem>> -> memref<4096xf32, #tpu.memory_space<vmem>>
    %dma_start3A_86 = tpu.memref_slice %arg3[%mul3A_83] : memref<1048576xf32, #tpu.memory_space<hbm>> -> memref<4096xf32, #tpu.memory_space<hbm>>
    %dma_start3A_87 = tpu.memref_slice %arg3[%mul3A_83] : memref<1048576xf32, #tpu.memory_space<hbm>> -> memref<4096xf32, #tpu.memory_space<hbm>>
    %dma_start3A_88 = arith.constant 12288 : i32
    %dma_start3A_89 = tpu.memref_slice %arg5[%dma_start3A_88] : memref<32768xf32, #tpu.memory_space<vmem>> -> memref<4096xf32, #tpu.memory_space<vmem>>
    tpu.enqueue_dma source(%dma_start3A_89 : memref<4096xf32, #tpu.memory_space<vmem>>) target(%dma_start3A_87 : memref<4096xf32, #tpu.memory_space<hbm>>) target_semaphore(%arg10 : memref<!tpu.dma_semaphore, #tpu.memory_space<semaphore_mem>>)
    %add3A_90 = arith.constant 64 : i32
    %add3A_91 = vector.broadcast %add3A_90 : i32 to vector<16xi32>
    %add3A_92 = arith.addi %add3A_91, %iota3A : vector<16xi32>
    %mul3A_93 = arith.constant 256 : i32
    %mul3A_94 = vector.broadcast %mul3A_93 : i32 to vector<16xi32>
    %mul3A_95 = arith.muli %add3A_92, %mul3A_94 : vector<16xi32>
    %parallel_loop3A_96 = arith.constant 0 : i32
    %parallel_loop3A_97 = arith.constant 200 : i32
    %parallel_loop3A_98 = arith.constant 1 : i32
    scf.for %parallel_loop3A_214 = %parallel_loop3A_96 to %parallel_loop3A_97 step %parallel_loop3A_98  : i32 {
      %parallel_loop3A_215 = arith.index_cast %parallel_loop3A_214 : i32 to index
      %parallel_loop3A_216 = arith.constant 64 : index
      %parallel_loop3A_217 = tpu.vector_load %arg4[%parallel_loop3A_215, %parallel_loop3A_216] {strides = array<i32>} : memref<200x128xi32, #tpu.memory_space<vmem>>, vector<16xi32>,
      %parallel_loop3A_218 = arith.addi %mul3A_95, %parallel_loop3A_217 : vector<16xi32>
      tpu.vector_store_idx %arg5[%parallel_loop3A_218], %broadcast_in_dim3A_8 {add = true} : memref<32768xf32, #tpu.memory_space<vmem>>[vector<16xi32>], vector<16xf32>,
    } {sc.loop_unroll_factor = 8 : i64, sc.parallel_access}
    %add3A_99 = arith.constant 64 : i32
    %add3A_100 = arith.addi %mul3A_2, %add3A_99 : i32
    %mul3A_101 = arith.constant 256 : i32
    %mul3A_102 = arith.muli %add3A_100, %mul3A_101 : i32
    %dma_start3A_103 = arith.constant 16384 : i32
    %dma_start3A_104 = tpu.memref_slice %arg5[%dma_start3A_103] : memref<32768xf32, #tpu.memory_space<vmem>> -> memref<4096xf32, #tpu.memory_space<vmem>>
    %dma_start3A_105 = tpu.memref_slice %arg3[%mul3A_102] : memref<1048576xf32, #tpu.memory_space<hbm>> -> memref<4096xf32, #tpu.memory_space<hbm>>
    %dma_start3A_106 = tpu.memref_slice %arg3[%mul3A_102] : memref<1048576xf32, #tpu.memory_space<hbm>> -> memref<4096xf32, #tpu.memory_space<hbm>>
    %dma_start3A_107 = arith.constant 16384 : i32
    %dma_start3A_108 = tpu.memref_slice %arg5[%dma_start3A_107] : memref<32768xf32, #tpu.memory_space<vmem>> -> memref<4096xf32, #tpu.memory_space<vmem>>
    tpu.enqueue_dma source(%dma_start3A_108 : memref<4096xf32, #tpu.memory_space<vmem>>) target(%dma_start3A_106 : memref<4096xf32, #tpu.memory_space<hbm>>) target_semaphore(%arg11 : memref<!tpu.dma_semaphore, #tpu.memory_space<semaphore_mem>>)
    %add3A_109 = arith.constant 80 : i32
    %add3A_110 = vector.broadcast %add3A_109 : i32 to vector<16xi32>
    %add3A_111 = arith.addi %add3A_110, %iota3A : vector<16xi32>
    %mul3A_112 = arith.constant 256 : i32
    %mul3A_113 = vector.broadcast %mul3A_112 : i32 to vector<16xi32>
    %mul3A_114 = arith.muli %add3A_111, %mul3A_113 : vector<16xi32>
    %parallel_loop3A_115 = arith.constant 0 : i32
    %parallel_loop3A_116 = arith.constant 200 : i32
    %parallel_loop3A_117 = arith.constant 1 : i32
    scf.for %parallel_loop3A_214 = %parallel_loop3A_115 to %parallel_loop3A_116 step %parallel_loop3A_117  : i32 {
      %parallel_loop3A_215 = arith.index_cast %parallel_loop3A_214 : i32 to index
      %parallel_loop3A_216 = arith.constant 80 : index
      %parallel_loop3A_217 = tpu.vector_load %arg4[%parallel_loop3A_215, %parallel_loop3A_216] {strides = array<i32>} : memref<200x128xi32, #tpu.memory_space<vmem>>, vector<16xi32>,
      %parallel_loop3A_218 = arith.addi %mul3A_114, %parallel_loop3A_217 : vector<16xi32>
      tpu.vector_store_idx %arg5[%parallel_loop3A_218], %broadcast_in_dim3A_8 {add = true} : memref<32768xf32, #tpu.memory_space<vmem>>[vector<16xi32>], vector<16xf32>,
    } {sc.loop_unroll_factor = 8 : i64, sc.parallel_access}
    %add3A_118 = arith.constant 80 : i32
    %add3A_119 = arith.addi %mul3A_2, %add3A_118 : i32
    %mul3A_120 = arith.constant 256 : i32
    %mul3A_121 = arith.muli %add3A_119, %mul3A_120 : i32
    %dma_start3A_122 = arith.constant 20480 : i32
    %dma_start3A_123 = tpu.memref_slice %arg5[%dma_start3A_122] : memref<32768xf32, #tpu.memory_space<vmem>> -> memref<4096xf32, #tpu.memory_space<vmem>>
    %dma_start3A_124 = tpu.memref_slice %arg3[%mul3A_121] : memref<1048576xf32, #tpu.memory_space<hbm>> -> memref<4096xf32, #tpu.memory_space<hbm>>
    %dma_start3A_125 = tpu.memref_slice %arg3[%mul3A_121] : memref<1048576xf32, #tpu.memory_space<hbm>> -> memref<4096xf32, #tpu.memory_space<hbm>>
    %dma_start3A_126 = arith.constant 20480 : i32
    %dma_start3A_127 = tpu.memref_slice %arg5[%dma_start3A_126] : memref<32768xf32, #tpu.memory_space<vmem>> -> memref<4096xf32, #tpu.memory_space<vmem>>
    tpu.enqueue_dma source(%dma_start3A_127 : memref<4096xf32, #tpu.memory_space<vmem>>) target(%dma_start3A_125 : memref<4096xf32, #tpu.memory_space<hbm>>) target_semaphore(%arg12 : memref<!tpu.dma_semaphore, #tpu.memory_space<semaphore_mem>>)
    %add3A_128 = arith.constant 96 : i32
    %add3A_129 = vector.broadcast %add3A_128 : i32 to vector<16xi32>
    %add3A_130 = arith.addi %add3A_129, %iota3A : vector<16xi32>
    %mul3A_131 = arith.constant 256 : i32
    %mul3A_132 = vector.broadcast %mul3A_131 : i32 to vector<16xi32>
    %mul3A_133 = arith.muli %add3A_130, %mul3A_132 : vector<16xi32>
    %parallel_loop3A_134 = arith.constant 0 : i32
    %parallel_loop3A_135 = arith.constant 200 : i32
    %parallel_loop3A_136 = arith.constant 1 : i32
    scf.for %parallel_loop3A_214 = %parallel_loop3A_134 to %parallel_loop3A_135 step %parallel_loop3A_136  : i32 {
      %parallel_loop3A_215 = arith.index_cast %parallel_loop3A_214 : i32 to index
      %parallel_loop3A_216 = arith.constant 96 : index
      %parallel_loop3A_217 = tpu.vector_load %arg4[%parallel_loop3A_215, %parallel_loop3A_216] {strides = array<i32>} : memref<200x128xi32, #tpu.memory_space<vmem>>, vector<16xi32>,
      %parallel_loop3A_218 = arith.addi %mul3A_133, %parallel_loop3A_217 : vector<16xi32>
      tpu.vector_store_idx %arg5[%parallel_loop3A_218], %broadcast_in_dim3A_8 {add = true} : memref<32768xf32, #tpu.memory_space<vmem>>[vector<16xi32>], vector<16xf32>,
    } {sc.loop_unroll_factor = 8 : i64, sc.parallel_access}
    %add3A_137 = arith.constant 96 : i32
    %add3A_138 = arith.addi %mul3A_2, %add3A_137 : i32
    %mul3A_139 = arith.constant 256 : i32
    %mul3A_140 = arith.muli %add3A_138, %mul3A_139 : i32
    %dma_start3A_141 = arith.constant 24576 : i32
    %dma_start3A_142 = tpu.memref_slice %arg5[%dma_start3A_141] : memref<32768xf32, #tpu.memory_space<vmem>> -> memref<4096xf32, #tpu.memory_space<vmem>>
    %dma_start3A_143 = tpu.memref_slice %arg3[%mul3A_140] : memref<1048576xf32, #tpu.memory_space<hbm>> -> memref<4096xf32, #tpu.memory_space<hbm>>
    %dma_start3A_144 = tpu.memref_slice %arg3[%mul3A_140] : memref<1048576xf32, #tpu.memory_space<hbm>> -> memref<4096xf32, #tpu.memory_space<hbm>>
    %dma_start3A_145 = arith.constant 24576 : i32
    %dma_start3A_146 = tpu.memref_slice %arg5[%dma_start3A_145] : memref<32768xf32, #tpu.memory_space<vmem>> -> memref<4096xf32, #tpu.memory_space<vmem>>
    tpu.enqueue_dma source(%dma_start3A_146 : memref<4096xf32, #tpu.memory_space<vmem>>) target(%dma_start3A_144 : memref<4096xf32, #tpu.memory_space<hbm>>) target_semaphore(%arg13 : memref<!tpu.dma_semaphore, #tpu.memory_space<semaphore_mem>>)
    %add3A_147 = arith.constant 112 : i32
    %add3A_148 = vector.broadcast %add3A_147 : i32 to vector<16xi32>
    %add3A_149 = arith.addi %add3A_148, %iota3A : vector<16xi32>
    %mul3A_150 = arith.constant 256 : i32
    %mul3A_151 = vector.broadcast %mul3A_150 : i32 to vector<16xi32>
    %mul3A_152 = arith.muli %add3A_149, %mul3A_151 : vector<16xi32>
    %parallel_loop3A_153 = arith.constant 0 : i32
    %parallel_loop3A_154 = arith.constant 200 : i32
    %parallel_loop3A_155 = arith.constant 1 : i32
    scf.for %parallel_loop3A_214 = %parallel_loop3A_153 to %parallel_loop3A_154 step %parallel_loop3A_155  : i32 {
      %parallel_loop3A_215 = arith.index_cast %parallel_loop3A_214 : i32 to index
      %parallel_loop3A_216 = arith.constant 112 : index
      %parallel_loop3A_217 = tpu.vector_load %arg4[%parallel_loop3A_215, %parallel_loop3A_216] {strides = array<i32>} : memref<200x128xi32, #tpu.memory_space<vmem>>, vector<16xi32>,
      %parallel_loop3A_218 = arith.addi %mul3A_152, %parallel_loop3A_217 : vector<16xi32>
      tpu.vector_store_idx %arg5[%parallel_loop3A_218], %broadcast_in_dim3A_8 {add = true} : memref<32768xf32, #tpu.memory_space<vmem>>[vector<16xi32>], vector<16xf32>,
    } {sc.loop_unroll_factor = 8 : i64, sc.parallel_access}
    %add3A_156 = arith.constant 112 : i32
    %add3A_157 = arith.addi %mul3A_2, %add3A_156 : i32
    %mul3A_158 = arith.constant 256 : i32
    %mul3A_159 = arith.muli %add3A_157, %mul3A_158 : i32
    %dma_start3A_160 = arith.constant 28672 : i32
    %dma_start3A_161 = tpu.memref_slice %arg5[%dma_start3A_160] : memref<32768xf32, #tpu.memory_space<vmem>> -> memref<4096xf32, #tpu.memory_space<vmem>>
    %dma_start3A_162 = tpu.memref_slice %arg3[%mul3A_159] : memref<1048576xf32, #tpu.memory_space<hbm>> -> memref<4096xf32, #tpu.memory_space<hbm>>
    %dma_start3A_163 = tpu.memref_slice %arg3[%mul3A_159] : memref<1048576xf32, #tpu.memory_space<hbm>> -> memref<4096xf32, #tpu.memory_space<hbm>>
    %dma_start3A_164 = arith.constant 28672 : i32
    %dma_start3A_165 = tpu.memref_slice %arg5[%dma_start3A_164] : memref<32768xf32, #tpu.memory_space<vmem>> -> memref<4096xf32, #tpu.memory_space<vmem>>
    tpu.enqueue_dma source(%dma_start3A_165 : memref<4096xf32, #tpu.memory_space<vmem>>) target(%dma_start3A_163 : memref<4096xf32, #tpu.memory_space<hbm>>) target_semaphore(%arg14 : memref<!tpu.dma_semaphore, #tpu.memory_space<semaphore_mem>>)
    %dma_wait3A_166 = arith.constant 0 : i32
    %dma_wait3A_167 = tpu.memref_slice %arg5[%dma_wait3A_166] : memref<32768xf32, #tpu.memory_space<vmem>> -> memref<4096xf32, #tpu.memory_space<vmem>>
    %dma_wait3A_168 = tpu.memref_slice %arg3[%mul3A_26] : memref<1048576xf32, #tpu.memory_space<hbm>> -> memref<4096xf32, #tpu.memory_space<hbm>>
    %dma_wait3A_169 = tpu.memref_slice %arg3[%mul3A_26] : memref<1048576xf32, #tpu.memory_space<hbm>> -> memref<4096xf32, #tpu.memory_space<hbm>>
    %dma_wait3A_170 = arith.constant 0 : i32
    %dma_wait3A_171 = tpu.memref_slice %arg5[%dma_wait3A_170] : memref<32768xf32, #tpu.memory_space<vmem>> -> memref<4096xf32, #tpu.memory_space<vmem>>
    tpu.wait_dma2 semaphore(%arg7 : memref<!tpu.dma_semaphore, #tpu.memory_space<semaphore_mem>>) src(%dma_wait3A_171 : memref<4096xf32, #tpu.memory_space<vmem>>) dst(%dma_wait3A_169 : memref<4096xf32, #tpu.memory_space<hbm>>)
    %dma_wait3A_172 = arith.constant 4096 : i32
    %dma_wait3A_173 = tpu.memref_slice %arg5[%dma_wait3A_172] : memref<32768xf32, #tpu.memory_space<vmem>> -> memref<4096xf32, #tpu.memory_space<vmem>>
    %dma_wait3A_174 = tpu.memref_slice %arg3[%mul3A_45] : memref<1048576xf32, #tpu.memory_space<hbm>> -> memref<4096xf32, #tpu.memory_space<hbm>>
    %dma_wait3A_175 = tpu.memref_slice %arg3[%mul3A_45] : memref<1048576xf32, #tpu.memory_space<hbm>> -> memref<4096xf32, #tpu.memory_space<hbm>>
    %dma_wait3A_176 = arith.constant 4096 : i32
    %dma_wait3A_177 = tpu.memref_slice %arg5[%dma_wait3A_176] : memref<32768xf32, #tpu.memory_space<vmem>> -> memref<4096xf32, #tpu.memory_space<vmem>>
    tpu.wait_dma2 semaphore(%arg8 : memref<!tpu.dma_semaphore, #tpu.memory_space<semaphore_mem>>) src(%dma_wait3A_177 : memref<4096xf32, #tpu.memory_space<vmem>>) dst(%dma_wait3A_175 : memref<4096xf32, #tpu.memory_space<hbm>>)
    %dma_wait3A_178 = arith.constant 8192 : i32
    %dma_wait3A_179 = tpu.memref_slice %arg5[%dma_wait3A_178] : memref<32768xf32, #tpu.memory_space<vmem>> -> memref<4096xf32, #tpu.memory_space<vmem>>
    %dma_wait3A_180 = tpu.memref_slice %arg3[%mul3A_64] : memref<1048576xf32, #tpu.memory_space<hbm>> -> memref<4096xf32, #tpu.memory_space<hbm>>
    %dma_wait3A_181 = tpu.memref_slice %arg3[%mul3A_64] : memref<1048576xf32, #tpu.memory_space<hbm>> -> memref<4096xf32, #tpu.memory_space<hbm>>
    %dma_wait3A_182 = arith.constant 8192 : i32
    %dma_wait3A_183 = tpu.memref_slice %arg5[%dma_wait3A_182] : memref<32768xf32, #tpu.memory_space<vmem>> -> memref<4096xf32, #tpu.memory_space<vmem>>
    tpu.wait_dma2 semaphore(%arg9 : memref<!tpu.dma_semaphore, #tpu.memory_space<semaphore_mem>>) src(%dma_wait3A_183 : memref<4096xf32, #tpu.memory_space<vmem>>) dst(%dma_wait3A_181 : memref<4096xf32, #tpu.memory_space<hbm>>)
    %dma_wait3A_184 = arith.constant 12288 : i32
    %dma_wait3A_185 = tpu.memref_slice %arg5[%dma_wait3A_184] : memref<32768xf32, #tpu.memory_space<vmem>> -> memref<4096xf32, #tpu.memory_space<vmem>>
    %dma_wait3A_186 = tpu.memref_slice %arg3[%mul3A_83] : memref<1048576xf32, #tpu.memory_space<hbm>> -> memref<4096xf32, #tpu.memory_space<hbm>>
    %dma_wait3A_187 = tpu.memref_slice %arg3[%mul3A_83] : memref<1048576xf32, #tpu.memory_space<hbm>> -> memref<4096xf32, #tpu.memory_space<hbm>>
    %dma_wait3A_188 = arith.constant 12288 : i32
    %dma_wait3A_189 = tpu.memref_slice %arg5[%dma_wait3A_188] : memref<32768xf32, #tpu.memory_space<vmem>> -> memref<4096xf32, #tpu.memory_space<vmem>>
    tpu.wait_dma2 semaphore(%arg10 : memref<!tpu.dma_semaphore, #tpu.memory_space<semaphore_mem>>) src(%dma_wait3A_189 : memref<4096xf32, #tpu.memory_space<vmem>>) dst(%dma_wait3A_187 : memref<4096xf32, #tpu.memory_space<hbm>>)
    %dma_wait3A_190 = arith.constant 16384 : i32
    %dma_wait3A_191 = tpu.memref_slice %arg5[%dma_wait3A_190] : memref<32768xf32, #tpu.memory_space<vmem>> -> memref<4096xf32, #tpu.memory_space<vmem>>
    %dma_wait3A_192 = tpu.memref_slice %arg3[%mul3A_102] : memref<1048576xf32, #tpu.memory_space<hbm>> -> memref<4096xf32, #tpu.memory_space<hbm>>
    %dma_wait3A_193 = tpu.memref_slice %arg3[%mul3A_102] : memref<1048576xf32, #tpu.memory_space<hbm>> -> memref<4096xf32, #tpu.memory_space<hbm>>
    %dma_wait3A_194 = arith.constant 16384 : i32
    %dma_wait3A_195 = tpu.memref_slice %arg5[%dma_wait3A_194] : memref<32768xf32, #tpu.memory_space<vmem>> -> memref<4096xf32, #tpu.memory_space<vmem>>
    tpu.wait_dma2 semaphore(%arg11 : memref<!tpu.dma_semaphore, #tpu.memory_space<semaphore_mem>>) src(%dma_wait3A_195 : memref<4096xf32, #tpu.memory_space<vmem>>) dst(%dma_wait3A_193 : memref<4096xf32, #tpu.memory_space<hbm>>)
    %dma_wait3A_196 = arith.constant 20480 : i32
    %dma_wait3A_197 = tpu.memref_slice %arg5[%dma_wait3A_196] : memref<32768xf32, #tpu.memory_space<vmem>> -> memref<4096xf32, #tpu.memory_space<vmem>>
    %dma_wait3A_198 = tpu.memref_slice %arg3[%mul3A_121] : memref<1048576xf32, #tpu.memory_space<hbm>> -> memref<4096xf32, #tpu.memory_space<hbm>>
    %dma_wait3A_199 = tpu.memref_slice %arg3[%mul3A_121] : memref<1048576xf32, #tpu.memory_space<hbm>> -> memref<4096xf32, #tpu.memory_space<hbm>>
    %dma_wait3A_200 = arith.constant 20480 : i32
    %dma_wait3A_201 = tpu.memref_slice %arg5[%dma_wait3A_200] : memref<32768xf32, #tpu.memory_space<vmem>> -> memref<4096xf32, #tpu.memory_space<vmem>>
    tpu.wait_dma2 semaphore(%arg12 : memref<!tpu.dma_semaphore, #tpu.memory_space<semaphore_mem>>) src(%dma_wait3A_201 : memref<4096xf32, #tpu.memory_space<vmem>>) dst(%dma_wait3A_199 : memref<4096xf32, #tpu.memory_space<hbm>>)
    %dma_wait3A_202 = arith.constant 24576 : i32
    %dma_wait3A_203 = tpu.memref_slice %arg5[%dma_wait3A_202] : memref<32768xf32, #tpu.memory_space<vmem>> -> memref<4096xf32, #tpu.memory_space<vmem>>
    %dma_wait3A_204 = tpu.memref_slice %arg3[%mul3A_140] : memref<1048576xf32, #tpu.memory_space<hbm>> -> memref<4096xf32, #tpu.memory_space<hbm>>
    %dma_wait3A_205 = tpu.memref_slice %arg3[%mul3A_140] : memref<1048576xf32, #tpu.memory_space<hbm>> -> memref<4096xf32, #tpu.memory_space<hbm>>
    %dma_wait3A_206 = arith.constant 24576 : i32
    %dma_wait3A_207 = tpu.memref_slice %arg5[%dma_wait3A_206] : memref<32768xf32, #tpu.memory_space<vmem>> -> memref<4096xf32, #tpu.memory_space<vmem>>
    tpu.wait_dma2 semaphore(%arg13 : memref<!tpu.dma_semaphore, #tpu.memory_space<semaphore_mem>>) src(%dma_wait3A_207 : memref<4096xf32, #tpu.memory_space<vmem>>) dst(%dma_wait3A_205 : memref<4096xf32, #tpu.memory_space<hbm>>)
    %dma_wait3A_208 = arith.constant 28672 : i32
    %dma_wait3A_209 = tpu.memref_slice %arg5[%dma_wait3A_208] : memref<32768xf32, #tpu.memory_space<vmem>> -> memref<4096xf32, #tpu.memory_space<vmem>>
    %dma_wait3A_210 = tpu.memref_slice %arg3[%mul3A_159] : memref<1048576xf32, #tpu.memory_space<hbm>> -> memref<4096xf32, #tpu.memory_space<hbm>>
    %dma_wait3A_211 = tpu.memref_slice %arg3[%mul3A_159] : memref<1048576xf32, #tpu.memory_space<hbm>> -> memref<4096xf32, #tpu.memory_space<hbm>>
    %dma_wait3A_212 = arith.constant 28672 : i32
    %dma_wait3A_213 = tpu.memref_slice %arg5[%dma_wait3A_212] : memref<32768xf32, #tpu.memory_space<vmem>> -> memref<4096xf32, #tpu.memory_space<vmem>>
    tpu.wait_dma2 semaphore(%arg14 : memref<!tpu.dma_semaphore, #tpu.memory_space<semaphore_mem>>) src(%dma_wait3A_213 : memref<4096xf32, #tpu.memory_space<vmem>>) dst(%dma_wait3A_211 : memref<4096xf32, #tpu.memory_space<hbm>>)
    return
  }
}

module attributes {stable_mosaic.version = 14 : i64} {
  func.func @_mm_body(%arg0: i32, %arg1: memref<524288xf32, #tpu.memory_space<vmem>>, %arg2: memref<256x128xf32, #tpu.memory_space<vmem>>, %arg3: memref<2048x128xf32, #tpu.memory_space<vmem>>) attributes {dimension_semantics = [#tpu.dimension_semantics<arbitrary>], iteration_bounds = array<i64: 2>, scalar_prefetch = 0 : i64, scratch_operands = 0 : i64, tpu.core_type = #tpu.core_type<tc>, window_params = [{transform_indices = @transform_0, window_bounds = array<i64: 524288>}, {pipeline_mode = #tpu.pipeline_mode<synchronous>, transform_indices = @transform_1, window_bounds = array<i64: 256, 128>}, {transform_indices = @transform_2, window_bounds = array<i64: 2048, 128>}]} {
    %get3A = arith.constant 0 : index
    %get3A_0 = vector.load %arg1[%get3A] : memref<524288xf32, #tpu.memory_space<vmem>>, vector<524288xf32>
    %reshape3A = vector.shape_cast %get3A_0 : vector<524288xf32> to vector<2048x256xf32>
    %get3A_1 = arith.constant 0 : index
    %get3A_2 = arith.constant 0 : index
    %get3A_3 = vector.load %arg2[%get3A_1, %get3A_2] : memref<256x128xf32, #tpu.memory_space<vmem>>, vector<256x128xf32>
    %dot_general3A = arith.constant dense<0.000000e+00> : vector<2048x128xf32>
    %dot_general3A_4 = tpu.matmul %reshape3A, %get3A_3, %dot_general3A {dimension_numbers = #tpu.dot_dimension_numbers<[1], [0], [0], [1], [0, 0, 1, 1], [], []>, transpose_lhs_hint = false} : vector<2048x256xf32>, vector<256x128xf32>, vector<2048x128xf32> -> vector<2048x128xf32>
    %mul3A = arith.constant 5.000000e-03 : f32
    %mul3A_5 = vector.broadcast %mul3A : f32 to vector<2048x128xf32>
    %mul3A_6 = arith.mulf %dot_general3A_4, %mul3A_5 : vector<2048x128xf32>
    %swap3A = arith.constant 0 : index
    %swap3A_7 = arith.constant 0 : index
    %swap3A_8 = vector.load %arg3[%swap3A, %swap3A_7] : memref<2048x128xf32, #tpu.memory_space<vmem>>, vector<2048x128xf32>
    tpu.vector_store %arg3[%swap3A, %swap3A_7], %mul3A_6 {strides = array<i32>} : memref<2048x128xf32, #tpu.memory_space<vmem>>, vector<2048x128xf32>,
    return
  }
  func.func @transform_0(%arg0: i32) -> i32 {
    %c0_i32 = arith.constant 0 : i32
    return %arg0 : i32
  }
  func.func @transform_1(%arg0: i32) -> (i32, i32) {
    %c0_i32 = arith.constant 0 : i32
    %c0_i32_0 = arith.constant 0 : i32
    %c0_i32_1 = arith.constant 0 : i32
    return %c0_i32, %c0_i32_0 : i32, i32
  }
  func.func @transform_2(%arg0: i32) -> (i32, i32) {
    %c0_i32 = arith.constant 0 : i32
    %c0_i32_0 = arith.constant 0 : i32
    return %arg0, %c0_i32 : i32, i32
  }
}

</mosaic_0001>

<sc_bundles>
// kernel: kernel.4.cloned.1.call-start
scs
__scs_entry_jumppad:
0x0: {  	(pc) =	sbr.rel $0x88, $3  }
0x1: {  	(tag) =	ssettag $0x0;
	lr =	simm.s32 $0x1  }
0x2: {  	[smem:$0x3F9F] =	sst lr;
	_ =	strace $0xD0000000  }
0x3: {  	_ = 	snop  }
0x4: {  	_ = 	snop  }
0x5: {  	_ = 	snop  }
0x6: {  	_ = 	snop  }
0x7: {  	_ = 	snop  }
__scs_overlays_trampoline_lowered:
0x8: {  	[smem:$0x3FAE] =	sst s0  }
0x9: {  	[smem:$0x3FAF] =	sst s1  }
0xa: {  	[smem:$0x3FB0] =	sst s2  }
0xb: {  	[smem:$0x3FB1] =	sst s3  }
0xc: {  	[smem:$0x3FB2] =	sst s4  }
0xd: {  	[smem:$0x3FB3] =	sst s5  }
0xe: {  	[smem:$0x3FB4] =	sst s6  }
0xf: {  	[smem:$0x3FB5] =	sst s7  }
0x10: {  	[smem:$0x3FB6] =	sst s8  }
0x11: {  	[smem:$0x3FB7] =	sst s9;
	s0 =	simm.s32 @!p0 $0x0  }
0x12: {  	s1 =	sld [smem:$0x3F9D];
	s0 =	simm.s32 @p0 $0x1  }
0x13: {  	[smem:$0x3FB8] =	sst s0;
	s0 =	simm.s32 @!p1 $0x0  }
0x14: {  	s2 =	sld [smem:$0x3F9C];
	s0 =	simm.s32 @p1 $0x1  }
0x15: {  	[smem:$0x3FB9] =	sst s0;
	s0 =	simm.s32 @!p2 $0x0  }
0x16: {  	s3 =	sld [smem:$0x3FDB];
	s0 =	simm.s32 @p2 $0x1  }
0x17: {  	s4 =	simm.s32 $0x1BF5;
	[smem:$0x3FBB] =	sst s0  }
0x18: {  	s0 =	sld [smem:$0x3F9E];
	_ =	swait.ge [sflag:s4], $0x0  }
0x19: {  	s7 =	sld [smem:$0x3F9F]  }
0x1a: {  	s8 =	sadd.s32 $0xFFFFE003, lr  }
0x1b: {  	s9 =	sadd.s32 $0xFFFFFEF7, lr;
	s5 =	simm.s32 $0xFFFFFFFF;
	p2 =	slt.u32 s8, $0xFFFFF086  }
0x1c: {  	p1 =	slt.u32 s9, $0xF7A;
	s5 =	simm.s32 @!p2 $0x0  }
0x1d: {  	s5 =	simm.s32 @p1 $0x1;
	p0 =	seq.s32 s7, s2  }
0x1e: {  	s7 =	smul.u32 @!p0 $0xF7A, s2;
	p2 =	seq.s32 @!p0 s5, $0x0  }
0x1f: {  	s9 =	smul.u32 $0xF7A, s1;
	s8 =	simm.s32 @!p0 $0x1BF5;
	p2 =	por !p2, p0  }
0x20: {  	[sflag:s8] =	ssyncset.s32 @!p0 $0xFFFFF086;
	s6 =	sadd.s32 @!p0 s3, s7;
	s7 =	simm.s32 @!p0 $0x108  }
0x21: {  	s3 =	sadd.s32 s3, s9;
	s6 =	sadd.s32 @!p0 $0x88, s6;
	s7 =	simm.s32 @p2 $0x1082  }
0x22: {  	[simem:s7], [sflag:s8] =	dma.local @!p0 [hbm:s6], $0xF7A  }
0x23: {  	s9 =	sor.u32 $0xD0000000, s2;
	s6 =	simm.s32 $0x108;
	_ =	swait.ge @!p0 [sflag:s8], $0x0  }
0x24: {  	s3 =	sadd.s32 $0x88, s3;
	s6 =	simm.s32 @!p1 $0x1082;
	[sflag:s4] =	ssyncset.s32 $0xFFFFF086  }
0x25: {  	[simem:s6], [sflag:s4] =	dma.local [hbm:s3], $0xF7A  }
0x26: {  	[smem:$0x3F9F] =	sst s1;
	(tag) =	ssettag s2;
	_ =	strace s9  }
0x27: {  	s1 =	sld [smem:$0x3FAF]  }
0x28: {  	s2 =	sld [smem:$0x3FB0]  }
0x29: {  	s4 =	sld [smem:$0x3FB2]  }
0x2a: {  	p0 =	seq.s32 s5, $0x0;
	s5 =	sld [smem:$0x3FB3]  }
0x2b: {  	s6 =	sld [smem:$0x3FB4]  }
0x2c: {  	s7 =	sld [smem:$0x3FB5]  }
0x2d: {  	s3 =	simm.s32 $0x108;
	s8 =	sld [smem:$0x3FB6]  }
0x2e: {  	s3 =	simm.s32 @!p0 $0x1082;
	s9 =	sld [smem:$0x3FB7]  }
0x2f: {  	lr =	sadd.s32 s0, s3;
	s0 =	sld [smem:$0x3FAE]  }
0x30: {  	s3 =	sld [smem:$0x3FB1]  }
0x31: {  	[smem:$0x3FBA] =	sst s10  }
0x32: {  	s10 =	sld [smem:$0x3FB8];
	_ =	sdelay $0x3  }
0x33: {  	p0 =	seq.s32 s10, $0x1;
	s10 =	sld [smem:$0x3FBA];
	_ =	sdelay $0x3  }
0x34: {  	[smem:$0x3FBA] =	sst s10  }
0x35: {  	s10 =	sld [smem:$0x3FB9];
	_ =	sdelay $0x3  }
0x36: {  	p1 =	seq.s32 s10, $0x1;
	s10 =	sld [smem:$0x3FBA];
	_ =	sdelay $0x3  }
0x37: {  	[smem:$0x3FBA] =	sst s10  }
0x38: {  	s10 =	sld [smem:$0x3FBB]  }
0x39: {  	_ = 	snop;
	(pc) =	sbr.ind lr, $3  }
0x3a: {  	_ = 	snop  }
0x3b: {  	_ = 	snop  }
0x3c: {  	p2 =	seq.s32 s10, $0x1;
	s10 =	sld [smem:$0x3FBA]  }
0x3d: {  	_ =	shalt  }
0x3e: {  	_ =	shalt  }
0x3f: {  	_ =	shalt  }
0x40: {  	_ =	shalt  }
0x41: {  	_ =	shalt  }
0x42: {  	_ =	shalt  }
0x43: {  	_ =	shalt  }
0x44: {  	_ =	shalt  }
0x45: {  	_ =	shalt  }
0x46: {  	_ =	shalt  }
0x47: {  	_ =	shalt  }
0x48: {  	_ =	shalt  }
0x49: {  	_ =	shalt  }
0x4a: {  	_ =	shalt  }
0x4b: {  	_ =	shalt  }
0x4c: {  	_ =	shalt  }
0x4d: {  	_ =	shalt  }
0x4e: {  	_ =	shalt  }
0x4f: {  	_ =	shalt  }
0x50: {  	_ =	shalt  }
0x51: {  	_ =	shalt  }
0x52: {  	_ =	shalt  }
0x53: {  	_ =	shalt  }
0x54: {  	_ =	shalt  }
0x55: {  	_ =	shalt  }
0x56: {  	_ =	shalt  }
0x57: {  	_ =	shalt  }
0x58: {  	_ =	shalt  }
0x59: {  	_ =	shalt  }
0x5a: {  	_ =	shalt  }
0x5b: {  	_ =	shalt  }
0x5c: {  	_ =	shalt  }
0x5d: {  	_ =	shalt  }
0x5e: {  	_ =	shalt  }
0x5f: {  	_ =	shalt  }
0x60: {  	_ =	shalt  }
0x61: {  	_ =	shalt  }
0x62: {  	_ =	shalt  }
0x63: {  	_ =	shalt  }
0x64: {  	_ =	shalt  }
0x65: {  	_ =	shalt  }
0x66: {  	_ =	shalt  }
0x67: {  	_ =	shalt  }
0x68: {  	_ =	shalt  }
0x69: {  	_ =	shalt  }
0x6a: {  	_ =	shalt  }
0x6b: {  	_ =	shalt  }
0x6c: {  	_ =	shalt  }
0x6d: {  	_ =	shalt  }
0x6e: {  	_ =	shalt  }
0x6f: {  	_ =	shalt  }
0x70: {  	_ =	shalt  }
0x71: {  	_ =	shalt  }
0x72: {  	_ =	shalt  }
0x73: {  	_ =	shalt  }
0x74: {  	_ =	shalt  }
0x75: {  	_ =	shalt  }
0x76: {  	_ =	shalt  }
0x77: {  	_ =	shalt  }
0x78: {  	_ =	shalt  }
0x79: {  	_ =	shalt  }
0x7a: {  	_ =	shalt  }
0x7b: {  	_ =	shalt  }
0x7c: {  	_ =	shalt  }
0x7d: {  	_ =	shalt  }
0x7e: {  	_ =	shalt  }
0x7f: {  	_ =	shalt  }
0x80: {  	_ =	shalt  }
0x81: {  	_ =	shalt  }
0x82: {  	_ =	shalt  }
0x83: {  	_ =	shalt  }
0x84: {  	_ =	shalt  }
0x85: {  	_ =	shalt  }
0x86: {  	_ =	shalt  }
0x87: {  	_ =	shalt  }
.Lfunc_end0:
.L_simem_size_0:
called_computation_lowered:
.L_overlay_start_0:
0x88: {  	s2 =	sld [smem:$0x3FD9]  }
0x89: {  	s3 =	sld [smem:$0x3FFE];
	_ =	sdelay $0x1  }
0x8a: {  	s1 =	srdreg.scid  }
0x8b: {  	s0 =	sand.u32 $0x1, s1  }
0x8c: {  	s17 =	sshll.u32 s0, $0xA;
	s2 =	sadd.s32 s3, s2  }
0x8d: {  	s2 =	sadd.s32 s2, s17  }
0x8e: {  	[smem:$0x3FC6] =	sst s2  }
0x8f: {  	_ = 	snop  }
0x90: {  	s2 =	sld [smem:$0x3FC9];
	(tm) =	ssettm $0x1  }
0x91: {  	s18 =	sld [smem:$0x3FFB];
	_ =	sdelay $0x3  }
0x92: {  	_ =	strace s18  }
0x93: {  	s3 =	sld [smem:$0x3FFC];
	_ =	sdelay $0x3  }
0x94: {  	_ =	strace s3  }
0x95: {  	s3 =	sld [smem:$0x3FFD];
	_ =	sdelay $0x3  }
0x96: {  	_ =	strace s3  }
0x97: {  	_ =	strace $0x8FFFFFFF  }
0x98: {  	s19 =	sld [smem:$0x3FDB];
	_ =	sdelay $0x1  }
0x99: {  	s4 =	simm.s32 $_scs_section_size  }
0x9a: {  	s5 =	simm.s32 $_size__tile_overlayer_lowered;
	s6 =	simm.s32 $_tile_overlayer_lowered  }
0x9b: {  	s22 =	simm.s32 $0x1BFF;
	s21 =	sshll.u32 s6, $0x1;
	s3 =	sadd.s32 s4, s19  }
0x9c: {  	s7 =	simm.s32 $0x0;
	s20 =	sshll.u32 s5, $0x1;
	s5 =	sadd.s32 s21, s3  }
0x9d: {  	[timem:s7], [sflag:s22] =	dma.local [hbm:s5], s20  }
0x9e: {  	_ =	swait.ge [sflag:s22], s20  }
0x9f: {  	s4 =	ssub.s32 $0x0, s20;
	[sflag:s22] =	ssyncset.done $0x0  }
0xa0: {  	[sflag:s22] =	ssyncadd.s32 s4;
	_ =	sdelay $0x1  }
0xa1: {  	s23 =	simm.s32 $0x1B8B  }
0xa2: {  	_ =	swait.ge [sflag:s23], $0x1  }
0xa3: {  	[sflag:s23] =	ssyncset.done $0x0  }
0xa4: {  	s25 =	simm.s32 $0x1B8E;
	s24 =	sld [smem:$0x3FFE];
	[sflag:s23] =	ssyncadd.s32 $0xFFFFFFFF  }
0xa5: {  	s26 =	simm.s32 $execute0_lowered;
	[smem:$0x3FD2] =	sst s25  }
0xa6: {  	s5 =	sshll.u32 s26, $0x1;
	_ =	strace $0x80000046;
	[dreg:$0x1] =	wrdreg $0xFFFFFFFF  }
0xa7: {  	s28 =	simm.s32 $_size_execute0_lowered;
	s3 =	sadd.s32 s3, s5;
	[dreg:$0x0] =	wrdreg $0x0  }
0xa8: {  	s5 =	sshll.u32 s28, $0x1;
	[dreg:$0x2] =	wrdreg s3  }
0xa9: {  	[dreg:$0x3] =	wrdreg s5  }
0xaa: {  	[dreg:$0x4] =	wrdreg $0xC0  }
0xab: {  	_ =	task [dreg:s7], $0x5FFFF  }
0xac: {  	[dreg:$0x1] =	wrdreg $0xFFFFFFFF  }
0xad: {  	[dreg:$0x0] =	wrdreg $0x60  }
0xae: {  	[dreg:$0x2] =	wrdreg s2  }
0xaf: {  	[dreg:$0x3] =	wrdreg s24  }
0xb0: {  	[dreg:$0x4] =	wrdreg $0x9  }
0xb1: {  	_ =	task.clear_ibuf [dreg:s7], $0x5FFFF;
	_ =	strace $0x90000046  }
0xb2: {  	s29 =	simm.s32 $0x9;
	_ =	strace $0x80000048  }
0xb3: {  	_ =	swait.ge [sflag:s29], $0x1  }
0xb4: {  	[sflag:s29] =	ssyncadd.s32 $0xFFFFFFFF  }
0xb5: {  	_ =	strace $0x90000048  }
0xb6: {  	_ =	sfence  }
0xb7: {  	s30 =	sld [smem:$0x0];
	_ =	sdelay $0x2  }
0xb8: {  	s31 =	sshll.u32 s1, $0xD;
	s1 =	sshrl.u32 s1, $0x2  }
0xb9: {  	s3 =	sand.u32 $0x4000, s31;
	s1 =	sadd.s32 s1, s30  }
0xba: {  	s0 =	sor.u32 s3, s0;
	s1 =	sshll.u32 s1, $0x11  }
0xbb: {  	s0 =	sor.u32 s1, s0  }
0xbc: {  	s0 =	sadd.s32 $0x8F2B, s0  }
0xbd: {  	[sflag:s0] =	ssyncadd.remote.s32 $0x1  }
0xbe: {  	_ =	sfence.sel $0xFFFF  }
0xbf: {  	[dreg:$0x0] =	wrdreg $0xFFFFFFFF;
	(pc) =	sbr.abs _section_cstart, $3  }
0xc0: {  	[dreg:$0x1] =	wrdreg $0xFFFFFFFF  }
0xc1: {  	_ =	task.clear_ibuf [dreg:s7], $0x2FFFF;
	_ =	strace $0x9FFFFFFF  }
0xc2: {  	(tm) =	ssettm $0x7FFFFFFF  }
0xc3: {  	_ =	shalt  }
tec
execute0_lowered:
.L_overlay_start_1:
0x0: {  	(tag) =	ssettag $0x1  }
0x1: {  	s0 =	rddreg [dreg:$0x0]  }
0x2: {  	s1 =	rddreg [dreg:$0x1]  }
0x3: {  	s3 =	srdreg.scid;
	s4 =	stileid.u32;
	s2 =	simm.s32 $0x0  }
0x4: {  	s15 =	simm.s32 $0x1;
	s16 =	simm.s32 $0x6400;
	s17 =	simm.s32 $0x7400  }
0x5: {  	s18 =	simm.s32 $0x8400;
	s19 =	simm.s32 $0x9400;
	s20 =	simm.s32 $0xA400  }
0x6: {  	s21 =	simm.s32 $0xB400;
	s22 =	simm.s32 $0xC400;
	s23 =	simm.s32 $0xD400  }
0x7: {  	s24 =	simm.s32 $0x2;
	s25 =	simm.s32 $0x3;
	s28 =	simm.s32 $0x5  }
0x8: {  	s29 =	simm.s32 $0x6;
	s30 =	simm.s32 $0x7;
	s31 =	simm.s32 $0x8  }
0x9: {  	s3 =	sand.u32 $0x1, s3;
	s4 =	sshll.u32 s4, $0x1;
	[smem:$0x7FF] =	sst s2  }
0xa: {  	s4 =	sor.u32 s3, s4;
	s3 =	ssub.s32 $0x2, s3;
	_ =	strace $0x80000047  }
0xb: {  	v0 =	vlaneseq.u32;
	s5 =	sshll.u32 s4, $0xC;
	s6 =	sshrl.u32 s3, $0x1;
	s26 =	sshll.u32 s4, $0x7  }
0xc: {  	v0 =	vmul.u32 $0x100, v0;
	s1 =	sadd.s32 s5, s1;
	s12 =	ssub.s32 s3, s6;
	s3 =	sadd.s32 s0, s26  }
0xd: {  	s26 =	simm.s32 $0x4;
	s0 =	simm.s32 $0x9;
	s4 =	sadd.s32 $0x600, s1  }
0xe: {  	v1 =	vimm.f32 $0.0e+00;
	v2 =	vimm.f32 $1.000000000e+00;
	v3 =	vor.u32 $0x1000, v0;
	s5 =	sadd.s32 $0x800, s1;
	s6 =	sadd.s32 $0xA00, s1;
	s7 =	sadd.s32 $0xC00, s1  }
0xf: {  	v4 =	vor.u32 $0x2000, v0;
	v5 =	vor.u32 $0x3000, v0;
	v6 =	vor.u32 $0x4000, v0;
	s8 =	sadd.s32 $0xE00, s1;
	s9 =	sadd.s32 $0x1000, s1;
	s10 =	sadd.s32 $0x1200, s1  }
0x10: {  	v7 =	vor.u32 $0x5000, v0;
	v8 =	vor.u32 $0x6000, v0;
	v9 =	vor.u32 $0x7000, v0;
	s11 =	sadd.s32 $0x1400, s1;
	s12 =	smax.u32 s12, $0x1;
	s1 =	simm.s32 $0x0  }
.LBB2_1:
0x11: {  	s13 =	simm.s32 $0x400;
	s14 =	simm.s32 $0x8000  }
0x12: {  	[tilespmem:s2], [sflag:$0x1] =	stream.strided.gather [hbm4b:s3+s13], $0x6400, s14, s13, $0x38;
	[tilespmem:$0xE400] =	vst v63  }
0x13: {  	s13 =	simm.s32 $0x6440  }
0x14: {  	[tilespmem:s13+$0xFFFFFFC0] =	vst v1  }
0x15: {  	[tilespmem:s13+$0x30] =	vst v1  }
0x16: {  	[tilespmem:s13+$0x20] =	vst v1  }
0x17: {  	[tilespmem:s13+$0x10] =	vst v1  }
0x18: {  	[tilespmem:s13+$0x0] =	vst v1  }
0x19: {  	[tilespmem:s13+$0xFFFFFFF0] =	vst v1  }
0x1a: {  	s14 =	simm.s32 $0x0;
	[tilespmem:s13+$0xFFFFFFE0] =	vst v1  }
.LBB2_2:
0x1b: {  	s14 =	sadd.s32 $0x80, s14;
	[tilespmem:s13+$0xFFFFFFD0] =	vst v1;
	s13 =	sadd.s32 $0x80, s13  }
0x1c: {  	[tilespmem:s13+$0xFFFFFFC0] =	vst v1;
	p0 =	slt.u32 s14, $0x7F80  }
0x1d: {  	[tilespmem:s13+$0x30] =	vst v1  }
.Ltmp0:
0x1e: {  	[tilespmem:s13+$0x20] =	vst v1;
	(pc) =	sbr.rel @p0 .LBB2_2-.Ltmp0, $4  }
0x1f: {  	[tilespmem:s13+$0x10] =	vst v1  }
0x20: {  	[tilespmem:s13+$0x0] =	vst v1  }
0x21: {  	[tilespmem:s13+$0xFFFFFFF0] =	vst v1  }
0x22: {  	[tilespmem:s13+$0xFFFFFFE0] =	vst v1  }
0x23: {  	[tilespmem:s13+$0xFFFFFFD0] =	vst v1  }
0x24: {  	_ =	swait.ge [sflag:s15], $0x6400  }
0x25: {  	[sflag:s15] =	ssyncset.done $0x0  }
0x26: {  	s14 =	simm.s32 $0x200;
	[sflag:s15] =	ssyncadd.s32 $0xFFFF9C00  }
0x27: {  	v10 =	vld [tilespmem:s14+$0x180]  }
0x28: {  	v11 =	vld [tilespmem:s14+$0xFFFFFE80]  }
0x29: {  	v12 =	vld [tilespmem:s14+$0xFFFFFF00]  }
0x2a: {  	v13 =	vld [tilespmem:s14+$0xFFFFFF80]  }
0x2b: {  	v14 =	vld [tilespmem:s14+$0x0]  }
0x2c: {  	v15 =	vld [tilespmem:s14+$0x80];
	v10 =	vadd.s32 v0, v10  }
0x2d: {  	v11 =	vadd.s32 v0, v11  }
0x2e: {  	v12 =	vadd.s32 v0, v12  }
0x2f: {  	v16 =	vld [tilespmem:s14+$0x100];
	v13 =	vadd.s32 v0, v13  }
0x30: {  	v17 =	vld [tilespmem:s14+$0xFFFFFE00];
	v14 =	vadd.s32 v0, v14  }
0x31: {  	v15 =	vadd.s32 v0, v15;
	[tilespmem:v10+s16+$0x0] =	vst.idx.add.f32.msk $0xffff, v2  }
0x32: {  	[tilespmem:v11+s16+$0x0] =	vst.idx.add.f32.msk $0xffff, v2  }
0x33: {  	[tilespmem:v12+s16+$0x0] =	vst.idx.add.f32.msk $0xffff, v2  }
0x34: {  	[tilespmem:v13+s16+$0x0] =	vst.idx.add.f32.msk $0xffff, v2  }
0x35: {  	[tilespmem:v14+s16+$0x0] =	vst.idx.add.f32.msk $0xffff, v2  }
0x36: {  	s13 =	simm.s32 $0x0;
	s14 =	simm.s32 $0x600;
	v10 =	vadd.s32 v0, v16;
	v11 =	vadd.s32 v0, v17;
	[tilespmem:v15+s16+$0x0] =	vst.idx.add.f32.msk $0xffff, v2  }
.LBB2_4:
0x37: {  	v12 =	vld [tilespmem:s14+$0x180];
	s13 =	sadd.s32 $0x8, s13  }
0x38: {  	v13 =	vld [tilespmem:s14+$0xFFFFFE80];
	p0 =	slt.u32 s13, $0xC0  }
0x39: {  	v14 =	vld [tilespmem:s14+$0xFFFFFF00]  }
0x3a: {  	v15 =	vld [tilespmem:s14+$0xFFFFFF80]  }
0x3b: {  	v16 =	vld [tilespmem:s14+$0x0]  }
0x3c: {  	v17 =	vld [tilespmem:s14+$0x80];
	v12 =	vadd.s32 v0, v12  }
0x3d: {  	v13 =	vadd.s32 v0, v13;
	v18 =	vld [tilespmem:s14+$0x100]  }
0x3e: {  	v19 =	vld [tilespmem:s14+$0xFFFFFE00];
	v14 =	vadd.s32 v0, v14  }
0x3f: {  	v15 =	vadd.s32 v0, v15;
	[tilespmem:v11+s16+$0x0] =	vst.idx.add.f32.msk $0xffff, v2  }
0x40: {  	v16 =	vadd.s32 v0, v16;
	[tilespmem:v10+s16+$0x0] =	vst.idx.add.f32.msk $0xffff, v2  }
0x41: {  	v17 =	vadd.s32 v0, v17;
	[tilespmem:v12+s16+$0x0] =	vst.idx.add.f32.msk $0xffff, v2  }
.Ltmp1:
0x42: {  	[tilespmem:v13+s16+$0x0] =	vst.idx.add.f32.msk $0xffff, v2;
	v10 =	vadd.s32 v0, v18;
	(pc) =	sbr.rel @p0 .LBB2_4-.Ltmp1, $4  }
0x43: {  	v11 =	vadd.s32 v0, v19;
	[tilespmem:v14+s16+$0x0] =	vst.idx.add.f32.msk $0xffff, v2  }
0x44: {  	[tilespmem:v15+s16+$0x0] =	vst.idx.add.f32.msk $0xffff, v2  }
0x45: {  	[tilespmem:v16+s16+$0x0] =	vst.idx.add.f32.msk $0xffff, v2  }
0x46: {  	s14 =	sadd.s32 $0x400, s14;
	[tilespmem:v17+s16+$0x0] =	vst.idx.add.f32.msk $0xffff, v2  }
0x47: {  	_ =	sdelay $0x3  }
0x48: {  	[tilespmem:v11+s16+$0x0] =	vst.idx.add.f32.msk $0xffff, v2  }
0x49: {  	[tilespmem:v10+s16+$0x0] =	vst.idx.add.f32.msk $0xffff, v2;
	s13 =	simm.s32 $0x210  }
0x4a: {  	[hbm4b:s4+s2] =	stream.linear.scatter [tilespmem:s16], [sflag:$0x2], $0x1000, $0x38;
	[tilespmem:$0xE400] =	vst v63  }
0x4b: {  	v10 =	vld [tilespmem:s13+$0x180]  }
0x4c: {  	v11 =	vld [tilespmem:s13+$0xFFFFFE80]  }
0x4d: {  	v12 =	vld [tilespmem:s13+$0xFFFFFF00]  }
0x4e: {  	v13 =	vld [tilespmem:s13+$0xFFFFFF80]  }
0x4f: {  	v14 =	vld [tilespmem:s13+$0x0]  }
0x50: {  	v15 =	vld [tilespmem:s13+$0x80];
	v10 =	vadd.s32 v3, v10  }
0x51: {  	v11 =	vadd.s32 v3, v11  }
0x52: {  	v12 =	vadd.s32 v3, v12  }
0x53: {  	v16 =	vld [tilespmem:s13+$0x100];
	v13 =	vadd.s32 v3, v13  }
0x54: {  	v17 =	vld [tilespmem:s13+$0xFFFFFE00];
	v14 =	vadd.s32 v3, v14  }
0x55: {  	v15 =	vadd.s32 v3, v15;
	[tilespmem:v10+s16+$0x0] =	vst.idx.add.f32.msk $0xffff, v2  }
0x56: {  	[tilespmem:v11+s16+$0x0] =	vst.idx.add.f32.msk $0xffff, v2  }
0x57: {  	[tilespmem:v12+s16+$0x0] =	vst.idx.add.f32.msk $0xffff, v2  }
0x58: {  	[tilespmem:v13+s16+$0x0] =	vst.idx.add.f32.msk $0xffff, v2  }
0x59: {  	[tilespmem:v14+s16+$0x0] =	vst.idx.add.f32.msk $0xffff, v2  }
0x5a: {  	s14 =	simm.s32 $0x610;
	s13 =	simm.s32 $0x0;
	v10 =	vadd.s32 v3, v16;
	v11 =	vadd.s32 v3, v17;
	[tilespmem:v15+s16+$0x0] =	vst.idx.add.f32.msk $0xffff, v2  }
.LBB2_6:
0x5b: {  	v12 =	vld [tilespmem:s14+$0x180];
	s13 =	sadd.s32 $0x8, s13  }
0x5c: {  	v13 =	vld [tilespmem:s14+$0xFFFFFE80];
	p0 =	slt.u32 s13, $0xC0  }
0x5d: {  	v14 =	vld [tilespmem:s14+$0xFFFFFF00]  }
0x5e: {  	v15 =	vld [tilespmem:s14+$0xFFFFFF80]  }
0x5f: {  	v16 =	vld [tilespmem:s14+$0x0]  }
0x60: {  	v17 =	vld [tilespmem:s14+$0x80];
	v12 =	vadd.s32 v3, v12  }
0x61: {  	v13 =	vadd.s32 v3, v13;
	v18 =	vld [tilespmem:s14+$0x100]  }
0x62: {  	v19 =	vld [tilespmem:s14+$0xFFFFFE00];
	v14 =	vadd.s32 v3, v14  }
0x63: {  	v15 =	vadd.s32 v3, v15;
	[tilespmem:v11+s16+$0x0] =	vst.idx.add.f32.msk $0xffff, v2  }
0x64: {  	v16 =	vadd.s32 v3, v16;
	[tilespmem:v10+s16+$0x0] =	vst.idx.add.f32.msk $0xffff, v2  }
0x65: {  	v17 =	vadd.s32 v3, v17;
	[tilespmem:v12+s16+$0x0] =	vst.idx.add.f32.msk $0xffff, v2  }
.Ltmp2:
0x66: {  	[tilespmem:v13+s16+$0x0] =	vst.idx.add.f32.msk $0xffff, v2;
	v10 =	vadd.s32 v3, v18;
	(pc) =	sbr.rel @p0 .LBB2_6-.Ltmp2, $4  }
0x67: {  	v11 =	vadd.s32 v3, v19;
	[tilespmem:v14+s16+$0x0] =	vst.idx.add.f32.msk $0xffff, v2  }
0x68: {  	[tilespmem:v15+s16+$0x0] =	vst.idx.add.f32.msk $0xffff, v2  }
0x69: {  	[tilespmem:v16+s16+$0x0] =	vst.idx.add.f32.msk $0xffff, v2  }
0x6a: {  	s14 =	sadd.s32 $0x400, s14;
	[tilespmem:v17+s16+$0x0] =	vst.idx.add.f32.msk $0xffff, v2  }
0x6b: {  	_ =	sdelay $0x3  }
0x6c: {  	[tilespmem:v11+s16+$0x0] =	vst.idx.add.f32.msk $0xffff, v2  }
0x6d: {  	[tilespmem:v10+s16+$0x0] =	vst.idx.add.f32.msk $0xffff, v2;
	s13 =	simm.s32 $0x220  }
0x6e: {  	[hbm4b:s5+s2] =	stream.linear.scatter [tilespmem:s17], [sflag:$0x3], $0x1000, $0x38;
	[tilespmem:$0xE400] =	vst v63  }
0x6f: {  	v10 =	vld [tilespmem:s13+$0x180]  }
0x70: {  	v11 =	vld [tilespmem:s13+$0xFFFFFE80]  }
0x71: {  	v12 =	vld [tilespmem:s13+$0xFFFFFF00]  }
0x72: {  	v13 =	vld [tilespmem:s13+$0xFFFFFF80]  }
0x73: {  	v14 =	vld [tilespmem:s13+$0x0]  }
0x74: {  	v15 =	vld [tilespmem:s13+$0x80];
	v10 =	vadd.s32 v4, v10  }
0x75: {  	v11 =	vadd.s32 v4, v11  }
0x76: {  	v12 =	vadd.s32 v4, v12  }
0x77: {  	v16 =	vld [tilespmem:s13+$0x100];
	v13 =	vadd.s32 v4, v13  }
0x78: {  	v17 =	vld [tilespmem:s13+$0xFFFFFE00];
	v14 =	vadd.s32 v4, v14  }
0x79: {  	v15 =	vadd.s32 v4, v15;
	[tilespmem:v10+s16+$0x0] =	vst.idx.add.f32.msk $0xffff, v2  }
0x7a: {  	[tilespmem:v11+s16+$0x0] =	vst.idx.add.f32.msk $0xffff, v2  }
0x7b: {  	[tilespmem:v12+s16+$0x0] =	vst.idx.add.f32.msk $0xffff, v2  }
0x7c: {  	[tilespmem:v13+s16+$0x0] =	vst.idx.add.f32.msk $0xffff, v2  }
0x7d: {  	[tilespmem:v14+s16+$0x0] =	vst.idx.add.f32.msk $0xffff, v2  }
0x7e: {  	s14 =	simm.s32 $0x620;
	s13 =	simm.s32 $0x0;
	v10 =	vadd.s32 v4, v16;
	v11 =	vadd.s32 v4, v17;
	[tilespmem:v15+s16+$0x0] =	vst.idx.add.f32.msk $0xffff, v2  }
.LBB2_8:
0x7f: {  	v12 =	vld [tilespmem:s14+$0x180];
	s13 =	sadd.s32 $0x8, s13  }
0x80: {  	v13 =	vld [tilespmem:s14+$0xFFFFFE80];
	p0 =	slt.u32 s13, $0xC0  }
0x81: {  	v14 =	vld [tilespmem:s14+$0xFFFFFF00]  }
0x82: {  	v15 =	vld [tilespmem:s14+$0xFFFFFF80]  }
0x83: {  	v16 =	vld [tilespmem:s14+$0x0]  }
0x84: {  	v17 =	vld [tilespmem:s14+$0x80];
	v12 =	vadd.s32 v4, v12  }
0x85: {  	v13 =	vadd.s32 v4, v13;
	v18 =	vld [tilespmem:s14+$0x100]  }
0x86: {  	v19 =	vld [tilespmem:s14+$0xFFFFFE00];
	v14 =	vadd.s32 v4, v14  }
0x87: {  	v15 =	vadd.s32 v4, v15;
	[tilespmem:v11+s16+$0x0] =	vst.idx.add.f32.msk $0xffff, v2  }
0x88: {  	v16 =	vadd.s32 v4, v16;
	[tilespmem:v10+s16+$0x0] =	vst.idx.add.f32.msk $0xffff, v2  }
0x89: {  	v17 =	vadd.s32 v4, v17;
	[tilespmem:v12+s16+$0x0] =	vst.idx.add.f32.msk $0xffff, v2  }
.Ltmp3:
0x8a: {  	[tilespmem:v13+s16+$0x0] =	vst.idx.add.f32.msk $0xffff, v2;
	v10 =	vadd.s32 v4, v18;
	(pc) =	sbr.rel @p0 .LBB2_8-.Ltmp3, $4  }
0x8b: {  	v11 =	vadd.s32 v4, v19;
	[tilespmem:v14+s16+$0x0] =	vst.idx.add.f32.msk $0xffff, v2  }
0x8c: {  	[tilespmem:v15+s16+$0x0] =	vst.idx.add.f32.msk $0xffff, v2  }
0x8d: {  	[tilespmem:v16+s16+$0x0] =	vst.idx.add.f32.msk $0xffff, v2  }
0x8e: {  	s14 =	sadd.s32 $0x400, s14;
	[tilespmem:v17+s16+$0x0] =	vst.idx.add.f32.msk $0xffff, v2  }
0x8f: {  	_ =	sdelay $0x3  }
0x90: {  	[tilespmem:v11+s16+$0x0] =	vst.idx.add.f32.msk $0xffff, v2  }
0x91: {  	[tilespmem:v10+s16+$0x0] =	vst.idx.add.f32.msk $0xffff, v2;
	s13 =	simm.s32 $0x230  }
0x92: {  	[hbm4b:s6+s2] =	stream.linear.scatter [tilespmem:s18], [sflag:$0x4], $0x1000, $0x38;
	[tilespmem:$0xE400] =	vst v63  }
0x93: {  	v10 =	vld [tilespmem:s13+$0x180]  }
0x94: {  	v11 =	vld [tilespmem:s13+$0xFFFFFE80]  }
0x95: {  	v12 =	vld [tilespmem:s13+$0xFFFFFF00]  }
0x96: {  	v13 =	vld [tilespmem:s13+$0xFFFFFF80]  }
0x97: {  	v14 =	vld [tilespmem:s13+$0x0]  }
0x98: {  	v15 =	vld [tilespmem:s13+$0x80];
	v10 =	vadd.s32 v5, v10  }
0x99: {  	v11 =	vadd.s32 v5, v11  }
0x9a: {  	v12 =	vadd.s32 v5, v12  }
0x9b: {  	v16 =	vld [tilespmem:s13+$0x100];
	v13 =	vadd.s32 v5, v13  }
0x9c: {  	v17 =	vld [tilespmem:s13+$0xFFFFFE00];
	v14 =	vadd.s32 v5, v14  }
0x9d: {  	v15 =	vadd.s32 v5, v15;
	[tilespmem:v10+s16+$0x0] =	vst.idx.add.f32.msk $0xffff, v2  }
0x9e: {  	[tilespmem:v11+s16+$0x0] =	vst.idx.add.f32.msk $0xffff, v2  }
0x9f: {  	[tilespmem:v12+s16+$0x0] =	vst.idx.add.f32.msk $0xffff, v2  }
0xa0: {  	[tilespmem:v13+s16+$0x0] =	vst.idx.add.f32.msk $0xffff, v2  }
0xa1: {  	[tilespmem:v14+s16+$0x0] =	vst.idx.add.f32.msk $0xffff, v2  }
0xa2: {  	s14 =	simm.s32 $0x630;
	s13 =	simm.s32 $0x0;
	v10 =	vadd.s32 v5, v16;
	v11 =	vadd.s32 v5, v17;
	[tilespmem:v15+s16+$0x0] =	vst.idx.add.f32.msk $0xffff, v2  }
.LBB2_10:
0xa3: {  	v12 =	vld [tilespmem:s14+$0x180];
	s13 =	sadd.s32 $0x8, s13  }
0xa4: {  	v13 =	vld [tilespmem:s14+$0xFFFFFE80];
	p0 =	slt.u32 s13, $0xC0  }
0xa5: {  	v14 =	vld [tilespmem:s14+$0xFFFFFF00]  }
0xa6: {  	v15 =	vld [tilespmem:s14+$0xFFFFFF80]  }
0xa7: {  	v16 =	vld [tilespmem:s14+$0x0]  }
0xa8: {  	v17 =	vld [tilespmem:s14+$0x80];
	v12 =	vadd.s32 v5, v12  }
0xa9: {  	v13 =	vadd.s32 v5, v13;
	v18 =	vld [tilespmem:s14+$0x100]  }
0xaa: {  	v19 =	vld [tilespmem:s14+$0xFFFFFE00];
	v14 =	vadd.s32 v5, v14  }
0xab: {  	v15 =	vadd.s32 v5, v15;
	[tilespmem:v11+s16+$0x0] =	vst.idx.add.f32.msk $0xffff, v2  }
0xac: {  	v16 =	vadd.s32 v5, v16;
	[tilespmem:v10+s16+$0x0] =	vst.idx.add.f32.msk $0xffff, v2  }
0xad: {  	v17 =	vadd.s32 v5, v17;
	[tilespmem:v12+s16+$0x0] =	vst.idx.add.f32.msk $0xffff, v2  }
.Ltmp4:
0xae: {  	[tilespmem:v13+s16+$0x0] =	vst.idx.add.f32.msk $0xffff, v2;
	v10 =	vadd.s32 v5, v18;
	(pc) =	sbr.rel @p0 .LBB2_10-.Ltmp4, $4  }
0xaf: {  	v11 =	vadd.s32 v5, v19;
	[tilespmem:v14+s16+$0x0] =	vst.idx.add.f32.msk $0xffff, v2  }
0xb0: {  	[tilespmem:v15+s16+$0x0] =	vst.idx.add.f32.msk $0xffff, v2  }
0xb1: {  	[tilespmem:v16+s16+$0x0] =	vst.idx.add.f32.msk $0xffff, v2  }
0xb2: {  	s14 =	sadd.s32 $0x400, s14;
	[tilespmem:v17+s16+$0x0] =	vst.idx.add.f32.msk $0xffff, v2  }
0xb3: {  	_ =	sdelay $0x3  }
0xb4: {  	[tilespmem:v11+s16+$0x0] =	vst.idx.add.f32.msk $0xffff, v2  }
0xb5: {  	[tilespmem:v10+s16+$0x0] =	vst.idx.add.f32.msk $0xffff, v2;
	s13 =	simm.s32 $0x240  }
0xb6: {  	[hbm4b:s7+s2] =	stream.linear.scatter [tilespmem:s19], [sflag:$0x5], $0x1000, $0x38;
	[tilespmem:$0xE400] =	vst v63  }
0xb7: {  	v10 =	vld [tilespmem:s13+$0x180]  }
0xb8: {  	v11 =	vld [tilespmem:s13+$0xFFFFFE80]  }
0xb9: {  	v12 =	vld [tilespmem:s13+$0xFFFFFF00]  }
0xba: {  	v13 =	vld [tilespmem:s13+$0xFFFFFF80]  }
0xbb: {  	v14 =	vld [tilespmem:s13+$0x0]  }
0xbc: {  	v15 =	vld [tilespmem:s13+$0x80];
	v10 =	vadd.s32 v6, v10  }
0xbd: {  	v11 =	vadd.s32 v6, v11  }
0xbe: {  	v12 =	vadd.s32 v6, v12  }
0xbf: {  	v16 =	vld [tilespmem:s13+$0x100];
	v13 =	vadd.s32 v6, v13  }
0xc0: {  	v17 =	vld [tilespmem:s13+$0xFFFFFE00];
	v14 =	vadd.s32 v6, v14  }
0xc1: {  	v15 =	vadd.s32 v6, v15;
	[tilespmem:v10+s16+$0x0] =	vst.idx.add.f32.msk $0xffff, v2  }
0xc2: {  	[tilespmem:v11+s16+$0x0] =	vst.idx.add.f32.msk $0xffff, v2  }
0xc3: {  	[tilespmem:v12+s16+$0x0] =	vst.idx.add.f32.msk $0xffff, v2  }
0xc4: {  	[tilespmem:v13+s16+$0x0] =	vst.idx.add.f32.msk $0xffff, v2  }
0xc5: {  	[tilespmem:v14+s16+$0x0] =	vst.idx.add.f32.msk $0xffff, v2  }
0xc6: {  	s14 =	simm.s32 $0x640;
	s13 =	simm.s32 $0x0;
	v10 =	vadd.s32 v6, v16;
	v11 =	vadd.s32 v6, v17;
	[tilespmem:v15+s16+$0x0] =	vst.idx.add.f32.msk $0xffff, v2  }
.LBB2_12:
0xc7: {  	v12 =	vld [tilespmem:s14+$0x180];
	s13 =	sadd.s32 $0x8, s13  }
0xc8: {  	v13 =	vld [tilespmem:s14+$0xFFFFFE80];
	p0 =	slt.u32 s13, $0xC0  }
0xc9: {  	v14 =	vld [tilespmem:s14+$0xFFFFFF00]  }
0xca: {  	v15 =	vld [tilespmem:s14+$0xFFFFFF80]  }
0xcb: {  	v16 =	vld [tilespmem:s14+$0x0]  }
0xcc: {  	v17 =	vld [tilespmem:s14+$0x80];
	v12 =	vadd.s32 v6, v12  }
0xcd: {  	v13 =	vadd.s32 v6, v13;
	v18 =	vld [tilespmem:s14+$0x100]  }
0xce: {  	v19 =	vld [tilespmem:s14+$0xFFFFFE00];
	v14 =	vadd.s32 v6, v14  }
0xcf: {  	v15 =	vadd.s32 v6, v15;
	[tilespmem:v11+s16+$0x0] =	vst.idx.add.f32.msk $0xffff, v2  }
0xd0: {  	v16 =	vadd.s32 v6, v16;
	[tilespmem:v10+s16+$0x0] =	vst.idx.add.f32.msk $0xffff, v2  }
0xd1: {  	v17 =	vadd.s32 v6, v17;
	[tilespmem:v12+s16+$0x0] =	vst.idx.add.f32.msk $0xffff, v2  }
.Ltmp5:
0xd2: {  	[tilespmem:v13+s16+$0x0] =	vst.idx.add.f32.msk $0xffff, v2;
	v10 =	vadd.s32 v6, v18;
	(pc) =	sbr.rel @p0 .LBB2_12-.Ltmp5, $4  }
0xd3: {  	v11 =	vadd.s32 v6, v19;
	[tilespmem:v14+s16+$0x0] =	vst.idx.add.f32.msk $0xffff, v2  }
0xd4: {  	[tilespmem:v15+s16+$0x0] =	vst.idx.add.f32.msk $0xffff, v2  }
0xd5: {  	[tilespmem:v16+s16+$0x0] =	vst.idx.add.f32.msk $0xffff, v2  }
0xd6: {  	s14 =	sadd.s32 $0x400, s14;
	[tilespmem:v17+s16+$0x0] =	vst.idx.add.f32.msk $0xffff, v2  }
0xd7: {  	_ =	sdelay $0x3  }
0xd8: {  	[tilespmem:v11+s16+$0x0] =	vst.idx.add.f32.msk $0xffff, v2  }
0xd9: {  	[tilespmem:v10+s16+$0x0] =	vst.idx.add.f32.msk $0xffff, v2;
	s13 =	simm.s32 $0x250  }
0xda: {  	[hbm4b:s8+s2] =	stream.linear.scatter [tilespmem:s20], [sflag:$0x6], $0x1000, $0x38;
	[tilespmem:$0xE400] =	vst v63  }
0xdb: {  	v10 =	vld [tilespmem:s13+$0x180]  }
0xdc: {  	v11 =	vld [tilespmem:s13+$0xFFFFFE80]  }
0xdd: {  	v12 =	vld [tilespmem:s13+$0xFFFFFF00]  }
0xde: {  	v13 =	vld [tilespmem:s13+$0xFFFFFF80]  }
0xdf: {  	v14 =	vld [tilespmem:s13+$0x0]  }
0xe0: {  	v15 =	vld [tilespmem:s13+$0x80];
	v10 =	vadd.s32 v7, v10  }
0xe1: {  	v11 =	vadd.s32 v7, v11  }
0xe2: {  	v12 =	vadd.s32 v7, v12  }
0xe3: {  	v16 =	vld [tilespmem:s13+$0x100];
	v13 =	vadd.s32 v7, v13  }
0xe4: {  	v17 =	vld [tilespmem:s13+$0xFFFFFE00];
	v14 =	vadd.s32 v7, v14  }
0xe5: {  	v15 =	vadd.s32 v7, v15;
	[tilespmem:v10+s16+$0x0] =	vst.idx.add.f32.msk $0xffff, v2  }
0xe6: {  	[tilespmem:v11+s16+$0x0] =	vst.idx.add.f32.msk $0xffff, v2  }
0xe7: {  	[tilespmem:v12+s16+$0x0] =	vst.idx.add.f32.msk $0xffff, v2  }
0xe8: {  	[tilespmem:v13+s16+$0x0] =	vst.idx.add.f32.msk $0xffff, v2  }
0xe9: {  	[tilespmem:v14+s16+$0x0] =	vst.idx.add.f32.msk $0xffff, v2  }
0xea: {  	s14 =	simm.s32 $0x650;
	s13 =	simm.s32 $0x0;
	v10 =	vadd.s32 v7, v16;
	v11 =	vadd.s32 v7, v17;
	[tilespmem:v15+s16+$0x0] =	vst.idx.add.f32.msk $0xffff, v2  }
.LBB2_14:
0xeb: {  	v12 =	vld [tilespmem:s14+$0x180];
	s13 =	sadd.s32 $0x8, s13  }
0xec: {  	v13 =	vld [tilespmem:s14+$0xFFFFFE80];
	p0 =	slt.u32 s13, $0xC0  }
0xed: {  	v14 =	vld [tilespmem:s14+$0xFFFFFF00]  }
0xee: {  	v15 =	vld [tilespmem:s14+$0xFFFFFF80]  }
0xef: {  	v16 =	vld [tilespmem:s14+$0x0]  }
0xf0: {  	v17 =	vld [tilespmem:s14+$0x80];
	v12 =	vadd.s32 v7, v12  }
0xf1: {  	v13 =	vadd.s32 v7, v13;
	v18 =	vld [tilespmem:s14+$0x100]  }
0xf2: {  	v19 =	vld [tilespmem:s14+$0xFFFFFE00];
	v14 =	vadd.s32 v7, v14  }
0xf3: {  	v15 =	vadd.s32 v7, v15;
	[tilespmem:v11+s16+$0x0] =	vst.idx.add.f32.msk $0xffff, v2  }
0xf4: {  	v16 =	vadd.s32 v7, v16;
	[tilespmem:v10+s16+$0x0] =	vst.idx.add.f32.msk $0xffff, v2  }
0xf5: {  	v17 =	vadd.s32 v7, v17;
	[tilespmem:v12+s16+$0x0] =	vst.idx.add.f32.msk $0xffff, v2  }
.Ltmp6:
0xf6: {  	[tilespmem:v13+s16+$0x0] =	vst.idx.add.f32.msk $0xffff, v2;
	v10 =	vadd.s32 v7, v18;
	(pc) =	sbr.rel @p0 .LBB2_14-.Ltmp6, $4  }
0xf7: {  	v11 =	vadd.s32 v7, v19;
	[tilespmem:v14+s16+$0x0] =	vst.idx.add.f32.msk $0xffff, v2  }
0xf8: {  	[tilespmem:v15+s16+$0x0] =	vst.idx.add.f32.msk $0xffff, v2  }
0xf9: {  	[tilespmem:v16+s16+$0x0] =	vst.idx.add.f32.msk $0xffff, v2  }
0xfa: {  	s14 =	sadd.s32 $0x400, s14;
	[tilespmem:v17+s16+$0x0] =	vst.idx.add.f32.msk $0xffff, v2  }
0xfb: {  	_ =	sdelay $0x3  }
0xfc: {  	[tilespmem:v11+s16+$0x0] =	vst.idx.add.f32.msk $0xffff, v2  }
0xfd: {  	[tilespmem:v10+s16+$0x0] =	vst.idx.add.f32.msk $0xffff, v2;
	s13 =	simm.s32 $0x260  }
0xfe: {  	[hbm4b:s9+s2] =	stream.linear.scatter [tilespmem:s21], [sflag:$0x7], $0x1000, $0x38;
	[tilespmem:$0xE400] =	vst v63  }
0xff: {  	v10 =	vld [tilespmem:s13+$0x180]  }
0x100: {  	v11 =	vld [tilespmem:s13+$0xFFFFFE80]  }
0x101: {  	v12 =	vld [tilespmem:s13+$0xFFFFFF00]  }
0x102: {  	v13 =	vld [tilespmem:s13+$0xFFFFFF80]  }
0x103: {  	v14 =	vld [tilespmem:s13+$0x0]  }
0x104: {  	v15 =	vld [tilespmem:s13+$0x80];
	v10 =	vadd.s32 v8, v10  }
0x105: {  	v11 =	vadd.s32 v8, v11  }
0x106: {  	v12 =	vadd.s32 v8, v12  }
0x107: {  	v16 =	vld [tilespmem:s13+$0x100];
	v13 =	vadd.s32 v8, v13  }
0x108: {  	v17 =	vld [tilespmem:s13+$0xFFFFFE00];
	v14 =	vadd.s32 v8, v14  }
0x109: {  	v15 =	vadd.s32 v8, v15;
	[tilespmem:v10+s16+$0x0] =	vst.idx.add.f32.msk $0xffff, v2  }
0x10a: {  	[tilespmem:v11+s16+$0x0] =	vst.idx.add.f32.msk $0xffff, v2  }
0x10b: {  	[tilespmem:v12+s16+$0x0] =	vst.idx.add.f32.msk $0xffff, v2  }
0x10c: {  	[tilespmem:v13+s16+$0x0] =	vst.idx.add.f32.msk $0xffff, v2  }
0x10d: {  	[tilespmem:v14+s16+$0x0] =	vst.idx.add.f32.msk $0xffff, v2  }
0x10e: {  	s14 =	simm.s32 $0x660;
	s13 =	simm.s32 $0x0;
	v10 =	vadd.s32 v8, v16;
	v11 =	vadd.s32 v8, v17;
	[tilespmem:v15+s16+$0x0] =	vst.idx.add.f32.msk $0xffff, v2  }
.LBB2_16:
0x10f: {  	v12 =	vld [tilespmem:s14+$0x180];
	s13 =	sadd.s32 $0x8, s13  }
0x110: {  	v13 =	vld [tilespmem:s14+$0xFFFFFE80];
	p0 =	slt.u32 s13, $0xC0  }
0x111: {  	v14 =	vld [tilespmem:s14+$0xFFFFFF00]  }
0x112: {  	v15 =	vld [tilespmem:s14+$0xFFFFFF80]  }
0x113: {  	v16 =	vld [tilespmem:s14+$0x0]  }
0x114: {  	v17 =	vld [tilespmem:s14+$0x80];
	v12 =	vadd.s32 v8, v12  }
0x115: {  	v13 =	vadd.s32 v8, v13;
	v18 =	vld [tilespmem:s14+$0x100]  }
0x116: {  	v19 =	vld [tilespmem:s14+$0xFFFFFE00];
	v14 =	vadd.s32 v8, v14  }
0x117: {  	v15 =	vadd.s32 v8, v15;
	[tilespmem:v11+s16+$0x0] =	vst.idx.add.f32.msk $0xffff, v2  }
0x118: {  	v16 =	vadd.s32 v8, v16;
	[tilespmem:v10+s16+$0x0] =	vst.idx.add.f32.msk $0xffff, v2  }
0x119: {  	v17 =	vadd.s32 v8, v17;
	[tilespmem:v12+s16+$0x0] =	vst.idx.add.f32.msk $0xffff, v2  }
.Ltmp7:
0x11a: {  	[tilespmem:v13+s16+$0x0] =	vst.idx.add.f32.msk $0xffff, v2;
	v10 =	vadd.s32 v8, v18;
	(pc) =	sbr.rel @p0 .LBB2_16-.Ltmp7, $4  }
0x11b: {  	v11 =	vadd.s32 v8, v19;
	[tilespmem:v14+s16+$0x0] =	vst.idx.add.f32.msk $0xffff, v2  }
0x11c: {  	[tilespmem:v15+s16+$0x0] =	vst.idx.add.f32.msk $0xffff, v2  }
0x11d: {  	[tilespmem:v16+s16+$0x0] =	vst.idx.add.f32.msk $0xffff, v2  }
0x11e: {  	s14 =	sadd.s32 $0x400, s14;
	[tilespmem:v17+s16+$0x0] =	vst.idx.add.f32.msk $0xffff, v2  }
0x11f: {  	_ =	sdelay $0x3  }
0x120: {  	[tilespmem:v11+s16+$0x0] =	vst.idx.add.f32.msk $0xffff, v2  }
0x121: {  	[tilespmem:v10+s16+$0x0] =	vst.idx.add.f32.msk $0xffff, v2;
	s13 =	simm.s32 $0x270  }
0x122: {  	[hbm4b:s10+s2] =	stream.linear.scatter [tilespmem:s22], [sflag:$0x8], $0x1000, $0x38;
	[tilespmem:$0xE400] =	vst v63  }
0x123: {  	v10 =	vld [tilespmem:s13+$0x180]  }
0x124: {  	v11 =	vld [tilespmem:s13+$0xFFFFFE80]  }
0x125: {  	v12 =	vld [tilespmem:s13+$0xFFFFFF00]  }
0x126: {  	v13 =	vld [tilespmem:s13+$0xFFFFFF80]  }
0x127: {  	v14 =	vld [tilespmem:s13+$0x0]  }
0x128: {  	v15 =	vld [tilespmem:s13+$0x80];
	v10 =	vadd.s32 v9, v10  }
0x129: {  	v11 =	vadd.s32 v9, v11  }
0x12a: {  	v12 =	vadd.s32 v9, v12  }
0x12b: {  	v16 =	vld [tilespmem:s13+$0x100];
	v13 =	vadd.s32 v9, v13  }
0x12c: {  	v17 =	vld [tilespmem:s13+$0xFFFFFE00];
	v14 =	vadd.s32 v9, v14  }
0x12d: {  	v15 =	vadd.s32 v9, v15;
	[tilespmem:v10+s16+$0x0] =	vst.idx.add.f32.msk $0xffff, v2  }
0x12e: {  	[tilespmem:v11+s16+$0x0] =	vst.idx.add.f32.msk $0xffff, v2  }
0x12f: {  	[tilespmem:v12+s16+$0x0] =	vst.idx.add.f32.msk $0xffff, v2  }
0x130: {  	[tilespmem:v13+s16+$0x0] =	vst.idx.add.f32.msk $0xffff, v2  }
0x131: {  	[tilespmem:v14+s16+$0x0] =	vst.idx.add.f32.msk $0xffff, v2  }
0x132: {  	s14 =	simm.s32 $0x670;
	s13 =	simm.s32 $0x0;
	v10 =	vadd.s32 v9, v16;
	v11 =	vadd.s32 v9, v17;
	[tilespmem:v15+s16+$0x0] =	vst.idx.add.f32.msk $0xffff, v2  }
.LBB2_18:
0x133: {  	v12 =	vld [tilespmem:s14+$0x180];
	s13 =	sadd.s32 $0x8, s13  }
0x134: {  	v13 =	vld [tilespmem:s14+$0xFFFFFE80];
	p0 =	slt.u32 s13, $0xC0  }
0x135: {  	v14 =	vld [tilespmem:s14+$0xFFFFFF00]  }
0x136: {  	v15 =	vld [tilespmem:s14+$0xFFFFFF80]  }
0x137: {  	v16 =	vld [tilespmem:s14+$0x0]  }
0x138: {  	v17 =	vld [tilespmem:s14+$0x80];
	v12 =	vadd.s32 v9, v12  }
0x139: {  	v13 =	vadd.s32 v9, v13;
	v18 =	vld [tilespmem:s14+$0x100]  }
0x13a: {  	v19 =	vld [tilespmem:s14+$0xFFFFFE00];
	v14 =	vadd.s32 v9, v14  }
0x13b: {  	v15 =	vadd.s32 v9, v15;
	[tilespmem:v11+s16+$0x0] =	vst.idx.add.f32.msk $0xffff, v2  }
0x13c: {  	v16 =	vadd.s32 v9, v16;
	[tilespmem:v10+s16+$0x0] =	vst.idx.add.f32.msk $0xffff, v2  }
0x13d: {  	v17 =	vadd.s32 v9, v17;
	[tilespmem:v12+s16+$0x0] =	vst.idx.add.f32.msk $0xffff, v2  }
.Ltmp8:
0x13e: {  	[tilespmem:v13+s16+$0x0] =	vst.idx.add.f32.msk $0xffff, v2;
	v10 =	vadd.s32 v9, v18;
	(pc) =	sbr.rel @p0 .LBB2_18-.Ltmp8, $4  }
0x13f: {  	v11 =	vadd.s32 v9, v19;
	[tilespmem:v14+s16+$0x0] =	vst.idx.add.f32.msk $0xffff, v2  }
0x140: {  	[tilespmem:v15+s16+$0x0] =	vst.idx.add.f32.msk $0xffff, v2  }
0x141: {  	[tilespmem:v16+s16+$0x0] =	vst.idx.add.f32.msk $0xffff, v2  }
0x142: {  	s14 =	sadd.s32 $0x400, s14;
	[tilespmem:v17+s16+$0x0] =	vst.idx.add.f32.msk $0xffff, v2  }
0x143: {  	_ =	sdelay $0x3  }
0x144: {  	[tilespmem:v11+s16+$0x0] =	vst.idx.add.f32.msk $0xffff, v2  }
0x145: {  	[tilespmem:v10+s16+$0x0] =	vst.idx.add.f32.msk $0xffff, v2  }
0x146: {  	[hbm4b:s11+s2] =	stream.linear.scatter [tilespmem:s23], [sflag:$0x9], $0x1000, $0x38;
	[tilespmem:$0xE400] =	vst v63  }
0x147: {  	_ =	swait.ge [sflag:s24], $0x1000  }
0x148: {  	[sflag:s24] =	ssyncset.done $0x0  }
0x149: {  	[sflag:s24] =	ssyncadd.s32 $0xFFFFF000  }
0x14a: {  	_ =	swait.ge [sflag:s25], $0x1000  }
0x14b: {  	[sflag:s25] =	ssyncset.done $0x0  }
0x14c: {  	[sflag:s25] =	ssyncadd.s32 $0xFFFFF000  }
0x14d: {  	_ =	swait.ge [sflag:s26], $0x1000  }
0x14e: {  	[sflag:s26] =	ssyncset.done $0x0  }
0x14f: {  	[sflag:s26] =	ssyncadd.s32 $0xFFFFF000  }
0x150: {  	_ =	swait.ge [sflag:s28], $0x1000  }
0x151: {  	[sflag:s28] =	ssyncset.done $0x0  }
0x152: {  	[sflag:s28] =	ssyncadd.s32 $0xFFFFF000  }
0x153: {  	_ =	swait.ge [sflag:s29], $0x1000  }
0x154: {  	[sflag:s29] =	ssyncset.done $0x0  }
0x155: {  	[sflag:s29] =	ssyncadd.s32 $0xFFFFF000  }
0x156: {  	_ =	swait.ge [sflag:s30], $0x1000  }
0x157: {  	[sflag:s30] =	ssyncset.done $0x0  }
0x158: {  	s1 =	sadd.s32 $0x1, s1;
	[sflag:s30] =	ssyncadd.s32 $0xFFFFF000  }
0x159: {  	p0 =	sne.s32 s1, s12;
	_ =	swait.ge [sflag:s31], $0x1000  }
.Ltmp9:
0x15a: {  	[sflag:s31] =	ssyncset.done $0x0;
	(pc) =	sbr.rel @p0 .LBB2_1-.Ltmp9, $4  }
0x15b: {  	[sflag:s31] =	ssyncadd.s32 $0xFFFFF000  }
0x15c: {  	_ =	swait.ge [sflag:s0], $0x1000  }
0x15d: {  	[sflag:s0] =	ssyncset.done $0x0  }
0x15e: {  	[sflag:s0] =	ssyncadd.s32 $0xFFFFF000  }
0x15f: {  	_ =	sfence.sel $0x180000  }
0x160: {  	[bflag:$0x0] =	sbarrier.arrive $0xFFFF  }
0x161: {  	_ =	strace $0x90000047  }
0x162: {  	s0 =	stileid.u32;
	[bflag:$0x2] =	sbarrier.arrive $0xFFFF  }
0x163: {  	p0 =	sne.s32 s0, $0x0;
	s0 =	rddreg [dreg:$0x2]  }
0x164: {  	s0 =	sadd.s32 @!p0 $0x100000, s0  }
0x165: {  	[sflag:s0] =	ssyncadd.tile.s32 @!p0 $0x1;
	_ =	shalt  }
.Lfunc_end2:
_tile_overlayer_lowered:
.L_overlay_start_2:
0x166: {  	(tag) =	ssettag $0x2  }
0x167: {  	s0 =	rddreg [dreg:$0x0];
	s2 =	stileid.u32  }
0x168: {  	s1 =	rddreg [dreg:$0x1];
	p0 =	sne.s32 s2, $0x0  }
0x169: {  	s3 =	rddreg [dreg:$0x2];
	[bflag:$0x3] =	sbarrier.arrive $0xFFFF;
	s2 =	simm.s32 @!p0 $0x1C0A  }
0x16a: {  	[timem:s3], [sflag:s2] =	dma.local @!p0 [hbm:s0], s1  }
0x16b: {  	s0 =	simm.s32 @!p0 $0xA  }
0x16c: {  	_ =	swait.ge @!p0 [sflag:s0], s1  }
0x16d: {  	s1 =	ssub.s32 @!p0 $0x0, s1;
	[sflag:s0] =	ssyncset.done @!p0 $0x0  }
0x16e: {  	[sflag:s0] =	ssyncadd.s32 @!p0 s1  }
0x16f: {  	[bflag:$0x3] =	sbarrier.arrive $0xFFFF  }
0x170: {  	_ =	shalt  }

</sc_bundles>
